<compile_context>
chip_gen: v7x
topology: tpu7x:2x2x1
jax: 0.10.2.dev20260603
libtpu: 0.0.44.dev20260713+nightly
codegen_flags: <defaults>
</compile_context>

<pallas_src>
import jax
import jax.numpy as jnp
from jax import lax
from jax.experimental import pallas as pl
from jax.experimental.pallas import tpu as pltpu
from jax.experimental.pallas import tpu_sc as plsc

N = 10000
D = 128
K = 32
BN = 8
F = BN * K
NW = 32
NP = 10240
NR = NP // NW
PER_W = NP * K // NW
GCH = 320
NCH = PER_W // GCH
assert NCH * GCH == PER_W
CE = 4096
EP = 80 * CE
NV = CE // 16
PAD_ROW = 10200
PACK = 16384


def _matmul_body(x_ref, w_ref, o_ref):
    o_ref[...] = jnp.dot(x_ref[...], w_ref[...],
                         preferred_element_type=jnp.float32)


def _project(feat, W):
    return pl.pallas_call(
        _matmul_body,
        out_shape=jax.ShapeDtypeStruct((N, D), jnp.float32),
    )(feat, W)


def _topk_body(pk_hbm, idx_hbm, vf_hbm, pb0, pb1, slots, vfv, counts, s0, s1):
    i32 = jnp.int32
    wid = lax.axis_index("s") * 2 + lax.axis_index("c")
    lo = (wid * i32(NR)).astype(i32)
    iot = lax.iota(i32, 16)
    kk = i32(K)

    def _zero(ref, n16):
        def zbody(i, c):
            ref[pl.ds(i * 16, 16)] = jnp.zeros((16,), i32)
            return c
        lax.fori_loop(i32(0), i32(n16), zbody, i32(0), unroll=False)

    _zero(counts, NR // 16)
    _zero(slots, NR * K // 16)

    def process(buf):
        def vloop(v, carry):
            p = buf[pl.ds(v * 16, 16)]
            r = lax.shift_right_logical(p, i32(14))
            cl = p & i32(PACK - 1)
            local = r - lo
            m = (local >= 0) & (local < i32(NR))
            lclip = jnp.minimum(jnp.maximum(local, i32(0)), i32(NR - 1))
            cnt = plsc.load_gather(counts, [lclip], mask=m)
            dup, lastm = plsc.scan_count(r, mask=m)
            slot = cnt + dup - 1
            keep = m & (slot < kk)
            sclip = jnp.minimum(jnp.maximum(slot, i32(0)), kk - 1)
            addr = lclip * kk + sclip
            plsc.store_scatter(slots, [addr], cl, mask=keep)
            plsc.store_scatter(counts, [lclip], cnt + dup, mask=m & lastm)
            return carry
        lax.fori_loop(i32(0), i32(NV), vloop, i32(0), unroll=False)

    pltpu.async_copy(pk_hbm.at[pl.ds(i32(0), CE)], pb0, s0)
    pltpu.async_copy(pk_hbm.at[pl.ds(i32(CE), CE)], pb1, s1)
    npairs = EP // CE // 2

    def pair(c, carry):
        pltpu.make_async_copy(pk_hbm.at[pl.ds(i32(0), CE)], pb0, s0).wait()
        process(pb0)

        @pl.when(c < i32(npairs - 1))
        def _():
            pltpu.async_copy(
                pk_hbm.at[pl.ds((2 * c + 2) * i32(CE), CE)], pb0, s0)
        pltpu.make_async_copy(pk_hbm.at[pl.ds(i32(0), CE)], pb1, s1).wait()
        process(pb1)

        @pl.when(c < i32(npairs - 1))
        def _():
            pltpu.async_copy(
                pk_hbm.at[pl.ds((2 * c + 3) * i32(CE), CE)], pb1, s1)
        return carry

    lax.fori_loop(i32(0), i32(npairs), pair, i32(0), unroll=False)

    def selfloop(nb, carry):
        offs = nb * 16
        idsl = offs + iot
        cv = counts[pl.ds(offs, 16)]
        need = cv < kk
        addr = idsl * kk + jnp.minimum(cv, kk - 1)
        gid = jnp.minimum(lo + idsl, i32(N - 1))
        plsc.store_scatter(slots, [addr], gid, mask=need)
        counts[pl.ds(offs, 16)] = cv + need.astype(i32)
        return carry

    lax.fori_loop(i32(0), i32(NR // 16), selfloop, i32(0), unroll=False)

    def vfloop(i, carry):
        base = i * 16
        pos = base + iot
        nodev = lax.shift_right_logical(pos, i32(5))
        cv = plsc.load_gather(counts, [nodev])
        kpos = pos & i32(K - 1)
        vfv[pl.ds(base, 16)] = (kpos < cv).astype(jnp.float32)
        return carry

    lax.fori_loop(i32(0), i32(NR * K // 16), vfloop, i32(0), unroll=False)

    base_out = wid * i32(NR * K)
    pltpu.sync_copy(slots, idx_hbm.at[pl.ds(base_out, NR * K)])
    pltpu.sync_copy(vfv, vf_hbm.at[pl.ds(base_out, NR * K)])


def _topk_sc(packed):
    mesh = plsc.VectorSubcoreMesh(core_axis_name="c", subcore_axis_name="s")
    kfn = pl.kernel(
        _topk_body,
        out_type=(jax.ShapeDtypeStruct((NP * K,), jnp.int32),
                  jax.ShapeDtypeStruct((NP * K,), jnp.float32)),
        mesh=mesh,
        scratch_types=[
            pltpu.VMEM((CE,), jnp.int32),
            pltpu.VMEM((CE,), jnp.int32),
            pltpu.VMEM((NR * K,), jnp.int32),
            pltpu.VMEM((NR * K,), jnp.float32),
            pltpu.VMEM((NR,), jnp.int32),
            pltpu.SemaphoreType.DMA,
            pltpu.SemaphoreType.DMA,
        ],
        compiler_params=pltpu.CompilerParams(needs_layout_passes=False),
    )
    return kfn(packed)


def _gather_body(h_hbm, idx_hbm, g_hbm, idx_v, rows_v, sem):
    i32 = jnp.int32
    wid = lax.axis_index("s") * 2 + lax.axis_index("c")
    base = wid * i32(PER_W)

    def chunk(c, carry):
        off = base + c * i32(GCH)

        @pl.when(off < i32(N * K))
        def _():
            pltpu.sync_copy(idx_hbm.at[pl.ds(off, GCH)], idx_v)
            pltpu.async_copy(h_hbm.at[idx_v], rows_v, sem).wait()
            pltpu.sync_copy(rows_v, g_hbm.at[pl.ds(off, GCH)])
        return carry

    lax.fori_loop(i32(0), i32(NCH), chunk, i32(0), unroll=False)


def _gather(h, idx_flat):
    mesh = plsc.VectorSubcoreMesh(core_axis_name="c", subcore_axis_name="s")
    kfn = pl.kernel(
        _gather_body,
        out_type=jax.ShapeDtypeStruct((NP * K, D), jnp.float32),
        mesh=mesh,
        scratch_types=[
            pltpu.VMEM((GCH,), jnp.int32),
            pltpu.VMEM((GCH, D), jnp.float32),
            pltpu.SemaphoreType.DMA,
        ],
    )
    return kfn(h, idx_flat)


def _z():
    return jnp.int32(0)


def _softkconv_half(G, vc, vr, b, o_ref, half):
    f32 = jnp.float32
    Q = G * G
    sqc = jnp.sum(Q, axis=1, keepdims=True)
    ones_r = jnp.ones((1, D), f32)
    tdim = (((1,), (1,)), ((), ()))
    sqr = lax.dot_general(ones_r, Q, tdim,
                          preferred_element_type=f32)
    inner = lax.dot_general(G, G, tdim,
                            preferred_element_type=f32)
    d2 = sqc + sqr - 2.0 * inner
    ia = lax.broadcasted_iota(jnp.int32, (F, F), 0)
    ib = lax.broadcasted_iota(jnp.int32, (F, F), 1)
    samen = (ia // K) == (ib // K)
    samenf = samen.astype(f32)
    offdiag = samenf * (1.0 - (ia == ib).astype(f32))
    dist = jnp.sqrt(jnp.maximum(d2, 0.0)) * (offdiag * vc * vr)
    distk = jnp.sum(dist, axis=1, keepdims=True)
    Bv = samenf * vr
    cntc = jnp.sum(Bv, axis=1, keepdims=True)
    ndim = (((1,), (0,)), ((), ()))
    Msum = lax.dot_general(Bv, distk, ndim,
                           preferred_element_type=f32)
    M = Msum / cntc
    z = jnp.where(vc > 0, M - distk, 0.0)
    e = jnp.where(vc > 0, jnp.exp(z), 0.0)
    S = lax.dot_general(samenf, e, ndim,
                        preferred_element_type=f32)
    rw = e / S
    ja = lax.broadcasted_iota(jnp.int32, (BN, F), 0)
    jb = lax.broadcasted_iota(jnp.int32, (BN, F), 1)
    Pm = (ja == (jb // K)).astype(f32)
    out = lax.dot_general(Pm, rw * G, ndim,
                          preferred_element_type=f32)
    o_ref[half * BN:(half + 1) * BN, :] = out + b


def _softkconv_body(g_ref, vc_ref, vr_ref, b_ref, o_ref):
    b = b_ref[...]
    vr = vr_ref[...].reshape(1, 2 * F)
    for half in range(2):
        s = half * F
        _softkconv_half(g_ref[s:s + F, :], vc_ref[s:s + F, :],
                        vr[:, s:s + F], b, o_ref, half)


def _softkconv(g, validc, validr, b):
    grid = N // (2 * BN)
    return pl.pallas_call(
        _softkconv_body,
        grid=(grid,),
        in_specs=[
            pl.BlockSpec((2 * F, D), lambda i: (i, _z())),
            pl.BlockSpec((2 * F, 1), lambda i: (i, _z())),
            pl.BlockSpec((1, 1, 2 * F), lambda i: (i, _z(), _z())),
            pl.BlockSpec((1, D), lambda i: (_z(), _z())),
        ],
        out_specs=pl.BlockSpec((2 * BN, D), lambda i: (i, _z())),
        out_shape=jax.ShapeDtypeStruct((N, D), jnp.float32),
    )(g, validc, validr, b)


def kernel(feat, edge_index, W, b):
    h = _project(feat, W)
    row = edge_index[0].astype(jnp.int32)
    col = edge_index[1].astype(jnp.int32)
    packed = row * PACK + col
    pad = jnp.full((EP - packed.shape[0],), PAD_ROW * PACK, jnp.int32)
    packed = jnp.concatenate([packed, pad])
    idx_pad, vf_pad = _topk_sc(packed)
    g_pad = _gather(h, idx_pad)
    validc = vf_pad.reshape(NP * K, 1)
    validr = vf_pad.reshape(NP // (2 * BN), 1, 2 * F)
    out = _softkconv(g_pad, validc, validr, b.reshape(1, D))
    return out

# --- scband reference (transcript-rebuilt; emitter-appended) ---
"""Pipeline reference for scband-soft-kconv-19473381720430 (READ-ONLY COPY).

The authoritative reference and input builder live on the scoring server;
editing this copy changes nothing except your own understanding.
"""

import jax, jax.numpy as jnp
import numpy as np

jax.config.update("jax_enable_x64", True)

N = 10000
D_IN = 128
D_OUT = 128
E = 320000
K = 32
TEMPERATURE = 1.0


def setup_inputs(seed: int = 0) -> dict:
    key = jax.random.key(seed)
    k1, k2, k3 = jax.random.split(key, 3)
    feat = jax.random.normal(k1, (N, D_IN), dtype=jnp.float32)
    edge_index = jax.random.randint(k2, (2, E), 0, N, dtype=jnp.int64)
    # Glorot-uniform weight as in reset_parameters; bias zeros
    limit = float(np.sqrt(6.0 / (D_IN + D_OUT)))
    W = jax.random.uniform(k3, (D_IN, D_OUT), dtype=jnp.float32, minval=-limit, maxval=limit)
    b = jnp.zeros((D_OUT,), dtype=jnp.float32)
    return {"feat": feat, "edge_index": edge_index, "W": W, "b": b}


def reference(feat, edge_index, W, b):
    n = feat.shape[0]
    k = K
    # add_self_loop=True; norm='none' and edge_weight=None -> unit edge weights
    loop = jnp.arange(n, dtype=edge_index.dtype)
    row = jnp.concatenate([edge_index[0], loop])
    col = jnp.concatenate([edge_index[1], loop])
    ew = jnp.ones(row.shape[0], dtype=feat.dtype)
    # feat = feat @ weight
    h = feat @ W
    # topk(edge_index, edge_weight, n, k): per-row top-k neighbors by weight, pad -1
    order = jnp.lexsort((-ew, row))
    srow = row[order]
    scol = col[order]
    sw = ew[order]
    e = srow.shape[0]
    first = jnp.searchsorted(srow, srow, side='left')
    rank = jnp.arange(e) - first
    top_k_idx = jnp.full((n, k), -1, dtype=srow.dtype).at[srow, rank].set(scol, mode='drop')
    top_k_w = jnp.zeros((n, k), dtype=feat.dtype).at[srow, rank].set(sw, mode='drop')
    valid = top_k_idx != -1
    # partial_distance_matrix: [n, k, k] pairwise distances within each top-k neighborhood
    g = h[jnp.clip(top_k_idx, 0, n - 1)]  # [n, k, d]
    sq = jnp.sum(g * g, axis=-1)  # [n, k]
    inner = jnp.einsum('nkd,nld->nkl', g, g)
    d2 = sq[:, :, None] + sq[:, None, :] - 2.0 * inner
    eye = jnp.eye(k, dtype=bool)[None, :, :]
    pair_mask = valid[:, :, None] & valid[:, None, :] & (~eye)
    d2 = jnp.where(pair_mask, jnp.maximum(d2, 0.0), 0.0)
    pos = d2 > 0
    dist = jnp.where(pos, jnp.sqrt(jnp.where(pos, d2, 1.0)), 0.0)
    # weighted medoid distances (Eq. 6)
    dist_k = jnp.sum(top_k_w[:, None, :] * dist, axis=-1)  # [n, k]
    big = jnp.finfo(dist_k.dtype).max
    dist_k = jnp.where(valid, dist_k, big)
    dist_k = jnp.where(jnp.isfinite(dist_k), dist_k, big)
    rw = jax.nn.softmax(-dist_k / TEMPERATURE, axis=-1)
    # with_weight_correction=True
    rw = rw * top_k_w
    rw = rw / jnp.sum(rw, axis=-1, keepdims=True)
    rw = jnp.where(valid, rw, 0.0)
    # spmm over reliable edges
    out = jnp.einsum('nk,nkd->nd', rw, g)
    # bias; activation=None; row_normalize=False
    out = out + b
    return out

if __name__ == "__main__":
    import jax
    _d = setup_inputs()
    print(jax.jit(kernel)(*tuple(_d.values())))

</pallas_src>

<mosaic_0001>
#map = affine_map<(d0, d1) -> (0, 0)>
#map1 = affine_map<(d0, d1) -> (0)>
module attributes {stable_mosaic.version = 14 : i64} {
  func.func @_gather_body(%arg0: i32, %arg1: i32, %arg2: memref<10000x128xf32, #tpu.memory_space<hbm>>, %arg3: memref<327680xi32, #tpu.memory_space<hbm>>, %arg4: memref<327680x128xf32, #tpu.memory_space<hbm>>, %arg5: memref<320xi32, #tpu.memory_space<vmem>>, %arg6: memref<320x128xf32, #tpu.memory_space<vmem>>, %arg7: memref<!tpu.dma_semaphore, #tpu.memory_space<semaphore_mem>>) attributes {dimension_semantics = [#tpu.dimension_semantics<core_parallel>, #tpu.dimension_semantics<subcore_parallel>], iteration_bounds = array<i64: 2, 16>, scalar_prefetch = 0 : i64, scratch_operands = 3 : i64, tpu.core_type = #tpu.core_type<sc_vector_subcore>, window_params = [{transform_indices = #map}, {transform_indices = #map1}, {transform_indices = #map}]} {
    %mul3A = arith.constant 2 : i32
    %mul3A_0 = arith.muli %arg1, %mul3A : i32
    %add3A = arith.addi %mul3A_0, %arg0 : i32
    %mul3A_1 = arith.constant 10240 : i32
    %mul3A_2 = arith.muli %add3A, %mul3A_1 : i32
    %while3A = arith.constant 0 : i32
    %while3A_3 = arith.constant 0 : i32
    %while3A_4 = arith.constant 32 : i32
    %while3A_5 = arith.subi %while3A_4, %while3A_3 : i32
    %while3A_6 = arith.addi %while3A_3, %while3A_5 : i32
    %while3A_7 = arith.constant 1 : i32
    %while3A_8 = arith.divsi %while3A_5, %while3A_7 : i32
    %while3A_9 = arith.muli %while3A_8, %while3A_7 : i32
    %while3A_10 = arith.addi %while3A_3, %while3A_9 : i32
    %while3A_11 = arith.constant 1 : i32
    scf.for %while3A_13 = %while3A_3 to %while3A_10 step %while3A_11  : i32 {
      %mul3A_14 = arith.constant 320 : i32
      %mul3A_15 = arith.muli %while3A_13, %mul3A_14 : i32
      %add3A_16 = arith.addi %mul3A_2, %mul3A_15 : i32
      %lt3A = arith.constant 320000 : i32
      %lt3A_17 = arith.cmpi slt, %add3A_16, %lt3A : i32
      %convert_element_type3A = arith.extui %lt3A_17 : i1 to i32
      %cond3A = arith.constant 0 : i32
      %cond3A_18 = arith.cmpi ne, %convert_element_type3A, %cond3A : i32
      scf.if %cond3A_18 {
        "tpu.region"() ({
          %run_scoped3A = tpu.sem_alloc : memref<!tpu.dma_semaphore, #tpu.memory_space<semaphore_mem>>
          %dma_start3A_23 = tpu.memref_slice %arg3[%add3A_16] : memref<327680xi32, #tpu.memory_space<hbm>> -> memref<320xi32, #tpu.memory_space<hbm>>
          %dma_start3A_24 = tpu.memref_slice %arg3[%add3A_16] : memref<327680xi32, #tpu.memory_space<hbm>> -> memref<320xi32, #tpu.memory_space<hbm>>
          tpu.enqueue_dma source(%dma_start3A_24 : memref<320xi32, #tpu.memory_space<hbm>>) target(%arg5 : memref<320xi32, #tpu.memory_space<vmem>>) target_semaphore(%run_scoped3A : memref<!tpu.dma_semaphore, #tpu.memory_space<semaphore_mem>>)
          %dma_wait3A_25 = tpu.memref_slice %arg3[%add3A_16] : memref<327680xi32, #tpu.memory_space<hbm>> -> memref<320xi32, #tpu.memory_space<hbm>>
          %dma_wait3A_26 = tpu.memref_slice %arg3[%add3A_16] : memref<327680xi32, #tpu.memory_space<hbm>> -> memref<320xi32, #tpu.memory_space<hbm>>
          tpu.wait_dma2 semaphore(%run_scoped3A : memref<!tpu.dma_semaphore, #tpu.memory_space<semaphore_mem>>) src(%dma_wait3A_26 : memref<320xi32, #tpu.memory_space<hbm>>) dst(%arg5 : memref<320xi32, #tpu.memory_space<vmem>>)
          tpu.yield
        }) : () -> ()
        %dma_start3A = arith.constant 0 : i32
        %dma_start3A_19 = arith.constant 0 : i32
        %dma_start3A_20 = tpu.memref_slice %arg2[%dma_start3A, %dma_start3A_19] : memref<10000x128xf32, #tpu.memory_space<hbm>> -> memref<10000x128xf32, #tpu.memory_space<hbm>>
        tpu.enqueue_indirect_dma source(%dma_start3A_20 : memref<10000x128xf32, #tpu.memory_space<hbm>>) target(%arg6 : memref<320x128xf32, #tpu.memory_space<vmem>>) offsets(%arg5 : memref<320xi32, #tpu.memory_space<vmem>>) semaphore(%arg7 : memref<!tpu.dma_semaphore, #tpu.memory_space<semaphore_mem>>)
        %dma_wait3A = arith.constant 0 : i32
        %dma_wait3A_21 = arith.constant 0 : i32
        %dma_wait3A_22 = tpu.memref_slice %arg2[%dma_wait3A, %dma_wait3A_21] : memref<10000x128xf32, #tpu.memory_space<hbm>> -> memref<10000x128xf32, #tpu.memory_space<hbm>>
        tpu.wait_indirect_dma semaphore(%arg7 : memref<!tpu.dma_semaphore, #tpu.memory_space<semaphore_mem>>) src(%dma_wait3A_22 : memref<10000x128xf32, #tpu.memory_space<hbm>>) dst(%arg6 : memref<320x128xf32, #tpu.memory_space<vmem>>)
        "tpu.region"() ({
          %run_scoped3A = tpu.sem_alloc : memref<!tpu.dma_semaphore, #tpu.memory_space<semaphore_mem>>
          %dma_start3A_23 = arith.constant 0 : i32
          %dma_start3A_24 = tpu.memref_slice %arg4[%add3A_16, %dma_start3A_23] : memref<327680x128xf32, #tpu.memory_space<hbm>> -> memref<320x128xf32, #tpu.memory_space<hbm>>
          %dma_start3A_25 = arith.constant 0 : i32
          %dma_start3A_26 = tpu.memref_slice %arg4[%add3A_16, %dma_start3A_25] : memref<327680x128xf32, #tpu.memory_space<hbm>> -> memref<320x128xf32, #tpu.memory_space<hbm>>
          tpu.enqueue_dma source(%arg6 : memref<320x128xf32, #tpu.memory_space<vmem>>) target(%dma_start3A_26 : memref<320x128xf32, #tpu.memory_space<hbm>>) target_semaphore(%run_scoped3A : memref<!tpu.dma_semaphore, #tpu.memory_space<semaphore_mem>>)
          %dma_wait3A_27 = arith.constant 0 : i32
          %dma_wait3A_28 = tpu.memref_slice %arg4[%add3A_16, %dma_wait3A_27] : memref<327680x128xf32, #tpu.memory_space<hbm>> -> memref<320x128xf32, #tpu.memory_space<hbm>>
          %dma_wait3A_29 = arith.constant 0 : i32
          %dma_wait3A_30 = tpu.memref_slice %arg4[%add3A_16, %dma_wait3A_29] : memref<327680x128xf32, #tpu.memory_space<hbm>> -> memref<320x128xf32, #tpu.memory_space<hbm>>
          tpu.wait_dma2 semaphore(%run_scoped3A : memref<!tpu.dma_semaphore, #tpu.memory_space<semaphore_mem>>) src(%arg6 : memref<320x128xf32, #tpu.memory_space<vmem>>) dst(%dma_wait3A_30 : memref<320x128xf32, #tpu.memory_space<hbm>>)
          tpu.yield
        }) : () -> ()
      } else {
      }
    }
    %while3A_12 = arith.constant 1 : i32
    scf.for %while3A_13 = %while3A_10 to %while3A_6 step %while3A_12  : i32 {
      %mul3A_14 = arith.constant 320 : i32
      %mul3A_15 = arith.muli %while3A_13, %mul3A_14 : i32
      %add3A_16 = arith.addi %mul3A_2, %mul3A_15 : i32
      %lt3A = arith.constant 320000 : i32
      %lt3A_17 = arith.cmpi slt, %add3A_16, %lt3A : i32
      %convert_element_type3A = arith.extui %lt3A_17 : i1 to i32
      %cond3A = arith.constant 0 : i32
      %cond3A_18 = arith.cmpi ne, %convert_element_type3A, %cond3A : i32
      scf.if %cond3A_18 {
        "tpu.region"() ({
          %run_scoped3A = tpu.sem_alloc : memref<!tpu.dma_semaphore, #tpu.memory_space<semaphore_mem>>
          %dma_start3A_23 = tpu.memref_slice %arg3[%add3A_16] : memref<327680xi32, #tpu.memory_space<hbm>> -> memref<320xi32, #tpu.memory_space<hbm>>
          %dma_start3A_24 = tpu.memref_slice %arg3[%add3A_16] : memref<327680xi32, #tpu.memory_space<hbm>> -> memref<320xi32, #tpu.memory_space<hbm>>
          tpu.enqueue_dma source(%dma_start3A_24 : memref<320xi32, #tpu.memory_space<hbm>>) target(%arg5 : memref<320xi32, #tpu.memory_space<vmem>>) target_semaphore(%run_scoped3A : memref<!tpu.dma_semaphore, #tpu.memory_space<semaphore_mem>>)
          %dma_wait3A_25 = tpu.memref_slice %arg3[%add3A_16] : memref<327680xi32, #tpu.memory_space<hbm>> -> memref<320xi32, #tpu.memory_space<hbm>>
          %dma_wait3A_26 = tpu.memref_slice %arg3[%add3A_16] : memref<327680xi32, #tpu.memory_space<hbm>> -> memref<320xi32, #tpu.memory_space<hbm>>
          tpu.wait_dma2 semaphore(%run_scoped3A : memref<!tpu.dma_semaphore, #tpu.memory_space<semaphore_mem>>) src(%dma_wait3A_26 : memref<320xi32, #tpu.memory_space<hbm>>) dst(%arg5 : memref<320xi32, #tpu.memory_space<vmem>>)
          tpu.yield
        }) : () -> ()
        %dma_start3A = arith.constant 0 : i32
        %dma_start3A_19 = arith.constant 0 : i32
        %dma_start3A_20 = tpu.memref_slice %arg2[%dma_start3A, %dma_start3A_19] : memref<10000x128xf32, #tpu.memory_space<hbm>> -> memref<10000x128xf32, #tpu.memory_space<hbm>>
        tpu.enqueue_indirect_dma source(%dma_start3A_20 : memref<10000x128xf32, #tpu.memory_space<hbm>>) target(%arg6 : memref<320x128xf32, #tpu.memory_space<vmem>>) offsets(%arg5 : memref<320xi32, #tpu.memory_space<vmem>>) semaphore(%arg7 : memref<!tpu.dma_semaphore, #tpu.memory_space<semaphore_mem>>)
        %dma_wait3A = arith.constant 0 : i32
        %dma_wait3A_21 = arith.constant 0 : i32
        %dma_wait3A_22 = tpu.memref_slice %arg2[%dma_wait3A, %dma_wait3A_21] : memref<10000x128xf32, #tpu.memory_space<hbm>> -> memref<10000x128xf32, #tpu.memory_space<hbm>>
        tpu.wait_indirect_dma semaphore(%arg7 : memref<!tpu.dma_semaphore, #tpu.memory_space<semaphore_mem>>) src(%dma_wait3A_22 : memref<10000x128xf32, #tpu.memory_space<hbm>>) dst(%arg6 : memref<320x128xf32, #tpu.memory_space<vmem>>)
        "tpu.region"() ({
          %run_scoped3A = tpu.sem_alloc : memref<!tpu.dma_semaphore, #tpu.memory_space<semaphore_mem>>
          %dma_start3A_23 = arith.constant 0 : i32
          %dma_start3A_24 = tpu.memref_slice %arg4[%add3A_16, %dma_start3A_23] : memref<327680x128xf32, #tpu.memory_space<hbm>> -> memref<320x128xf32, #tpu.memory_space<hbm>>
          %dma_start3A_25 = arith.constant 0 : i32
          %dma_start3A_26 = tpu.memref_slice %arg4[%add3A_16, %dma_start3A_25] : memref<327680x128xf32, #tpu.memory_space<hbm>> -> memref<320x128xf32, #tpu.memory_space<hbm>>
          tpu.enqueue_dma source(%arg6 : memref<320x128xf32, #tpu.memory_space<vmem>>) target(%dma_start3A_26 : memref<320x128xf32, #tpu.memory_space<hbm>>) target_semaphore(%run_scoped3A : memref<!tpu.dma_semaphore, #tpu.memory_space<semaphore_mem>>)
          %dma_wait3A_27 = arith.constant 0 : i32
          %dma_wait3A_28 = tpu.memref_slice %arg4[%add3A_16, %dma_wait3A_27] : memref<327680x128xf32, #tpu.memory_space<hbm>> -> memref<320x128xf32, #tpu.memory_space<hbm>>
          %dma_wait3A_29 = arith.constant 0 : i32
          %dma_wait3A_30 = tpu.memref_slice %arg4[%add3A_16, %dma_wait3A_29] : memref<327680x128xf32, #tpu.memory_space<hbm>> -> memref<320x128xf32, #tpu.memory_space<hbm>>
          tpu.wait_dma2 semaphore(%run_scoped3A : memref<!tpu.dma_semaphore, #tpu.memory_space<semaphore_mem>>) src(%arg6 : memref<320x128xf32, #tpu.memory_space<vmem>>) dst(%dma_wait3A_30 : memref<320x128xf32, #tpu.memory_space<hbm>>)
          tpu.yield
        }) : () -> ()
      } else {
      }
    }
    return
  }
}

#map = affine_map<(d0, d1) -> (0)>
module attributes {stable_mosaic.version = 14 : i64} {
  func.func @_topk_body(%arg0: i32, %arg1: i32, %arg2: memref<327680xi32, #tpu.memory_space<hbm>>, %arg3: memref<327680xi32, #tpu.memory_space<hbm>>, %arg4: memref<327680xf32, #tpu.memory_space<hbm>>, %arg5: memref<4096xi32, #tpu.memory_space<vmem>>, %arg6: memref<4096xi32, #tpu.memory_space<vmem>>, %arg7: memref<10240xi32, #tpu.memory_space<vmem>>, %arg8: memref<10240xf32, #tpu.memory_space<vmem>>, %arg9: memref<320xi32, #tpu.memory_space<vmem>>, %arg10: memref<!tpu.dma_semaphore, #tpu.memory_space<semaphore_mem>>, %arg11: memref<!tpu.dma_semaphore, #tpu.memory_space<semaphore_mem>>) attributes {dimension_semantics = [#tpu.dimension_semantics<core_parallel>, #tpu.dimension_semantics<subcore_parallel>], iteration_bounds = array<i64: 2, 16>, scalar_prefetch = 0 : i64, scratch_operands = 7 : i64, tpu.core_type = #tpu.core_type<sc_vector_subcore>, window_params = [{transform_indices = #map}, {transform_indices = #map}, {transform_indices = #map}]} {
    %mul3A = arith.constant 2 : i32
    %mul3A_0 = arith.muli %arg1, %mul3A : i32
    %add3A = arith.addi %mul3A_0, %arg0 : i32
    %mul3A_1 = arith.constant 320 : i32
    %mul3A_2 = arith.muli %add3A, %mul3A_1 : i32
    %iota3A = tpu.iota {dimensions = array<i32: 0>} : vector<16xi32>
    %while3A = arith.constant 0 : i32
    %while3A_3 = arith.constant 0 : i32
    %while3A_4 = arith.constant 20 : i32
    %while3A_5 = arith.subi %while3A_4, %while3A_3 : i32
    %while3A_6 = arith.addi %while3A_3, %while3A_5 : i32
    %while3A_7 = arith.constant 1 : i32
    %while3A_8 = arith.divsi %while3A_5, %while3A_7 : i32
    %while3A_9 = arith.muli %while3A_8, %while3A_7 : i32
    %while3A_10 = arith.addi %while3A_3, %while3A_9 : i32
    %while3A_11 = arith.constant 1 : i32
    scf.for %while3A_66 = %while3A_3 to %while3A_10 step %while3A_11  : i32 {
      %broadcast_in_dim3A = arith.constant 0 : i32
      %broadcast_in_dim3A_67 = vector.broadcast %broadcast_in_dim3A : i32 to vector<16xi32>
      %mul3A_68 = arith.constant 16 : i32
      %mul3A_69 = arith.muli %while3A_66, %mul3A_68 : i32
      %swap3A = arith.index_cast %mul3A_69 : i32 to index
      %swap3A_70 = tpu.vector_load %arg9[%swap3A] {strides = array<i32>} : memref<320xi32, #tpu.memory_space<vmem>>, vector<16xi32>,
      tpu.vector_store %arg9[%swap3A], %broadcast_in_dim3A_67 {strides = array<i32>} : memref<320xi32, #tpu.memory_space<vmem>>, vector<16xi32>,
    }
    %while3A_12 = arith.constant 1 : i32
    scf.for %while3A_66 = %while3A_10 to %while3A_6 step %while3A_12  : i32 {
      %broadcast_in_dim3A = arith.constant 0 : i32
      %broadcast_in_dim3A_67 = vector.broadcast %broadcast_in_dim3A : i32 to vector<16xi32>
      %mul3A_68 = arith.constant 16 : i32
      %mul3A_69 = arith.muli %while3A_66, %mul3A_68 : i32
      %swap3A = arith.index_cast %mul3A_69 : i32 to index
      %swap3A_70 = tpu.vector_load %arg9[%swap3A] {strides = array<i32>} : memref<320xi32, #tpu.memory_space<vmem>>, vector<16xi32>,
      tpu.vector_store %arg9[%swap3A], %broadcast_in_dim3A_67 {strides = array<i32>} : memref<320xi32, #tpu.memory_space<vmem>>, vector<16xi32>,
    }
    %while3A_13 = arith.constant 0 : i32
    %while3A_14 = arith.constant 0 : i32
    %while3A_15 = arith.constant 640 : i32
    %while3A_16 = arith.subi %while3A_15, %while3A_14 : i32
    %while3A_17 = arith.addi %while3A_14, %while3A_16 : i32
    %while3A_18 = arith.constant 1 : i32
    %while3A_19 = arith.divsi %while3A_16, %while3A_18 : i32
    %while3A_20 = arith.muli %while3A_19, %while3A_18 : i32
    %while3A_21 = arith.addi %while3A_14, %while3A_20 : i32
    %while3A_22 = arith.constant 1 : i32
    scf.for %while3A_66 = %while3A_14 to %while3A_21 step %while3A_22  : i32 {
      %broadcast_in_dim3A = arith.constant 0 : i32
      %broadcast_in_dim3A_67 = vector.broadcast %broadcast_in_dim3A : i32 to vector<16xi32>
      %mul3A_68 = arith.constant 16 : i32
      %mul3A_69 = arith.muli %while3A_66, %mul3A_68 : i32
      %swap3A = arith.index_cast %mul3A_69 : i32 to index
      %swap3A_70 = tpu.vector_load %arg7[%swap3A] {strides = array<i32>} : memref<10240xi32, #tpu.memory_space<vmem>>, vector<16xi32>,
      tpu.vector_store %arg7[%swap3A], %broadcast_in_dim3A_67 {strides = array<i32>} : memref<10240xi32, #tpu.memory_space<vmem>>, vector<16xi32>,
    }
    %while3A_23 = arith.constant 1 : i32
    scf.for %while3A_66 = %while3A_21 to %while3A_17 step %while3A_23  : i32 {
      %broadcast_in_dim3A = arith.constant 0 : i32
      %broadcast_in_dim3A_67 = vector.broadcast %broadcast_in_dim3A : i32 to vector<16xi32>
      %mul3A_68 = arith.constant 16 : i32
      %mul3A_69 = arith.muli %while3A_66, %mul3A_68 : i32
      %swap3A = arith.index_cast %mul3A_69 : i32 to index
      %swap3A_70 = tpu.vector_load %arg7[%swap3A] {strides = array<i32>} : memref<10240xi32, #tpu.memory_space<vmem>>, vector<16xi32>,
      tpu.vector_store %arg7[%swap3A], %broadcast_in_dim3A_67 {strides = array<i32>} : memref<10240xi32, #tpu.memory_space<vmem>>, vector<16xi32>,
    }
    %dma_start3A = arith.constant 0 : i32
    %dma_start3A_24 = tpu.memref_slice %arg2[%dma_start3A] : memref<327680xi32, #tpu.memory_space<hbm>> -> memref<4096xi32, #tpu.memory_space<hbm>>
    %dma_start3A_25 = tpu.memref_slice %arg2[%dma_start3A] : memref<327680xi32, #tpu.memory_space<hbm>> -> memref<4096xi32, #tpu.memory_space<hbm>>
    tpu.enqueue_dma source(%dma_start3A_25 : memref<4096xi32, #tpu.memory_space<hbm>>) target(%arg5 : memref<4096xi32, #tpu.memory_space<vmem>>) target_semaphore(%arg10 : memref<!tpu.dma_semaphore, #tpu.memory_space<semaphore_mem>>)
    %dma_start3A_26 = arith.constant 4096 : i32
    %dma_start3A_27 = tpu.memref_slice %arg2[%dma_start3A_26] : memref<327680xi32, #tpu.memory_space<hbm>> -> memref<4096xi32, #tpu.memory_space<hbm>>
    %dma_start3A_28 = tpu.memref_slice %arg2[%dma_start3A_26] : memref<327680xi32, #tpu.memory_space<hbm>> -> memref<4096xi32, #tpu.memory_space<hbm>>
    tpu.enqueue_dma source(%dma_start3A_28 : memref<4096xi32, #tpu.memory_space<hbm>>) target(%arg6 : memref<4096xi32, #tpu.memory_space<vmem>>) target_semaphore(%arg11 : memref<!tpu.dma_semaphore, #tpu.memory_space<semaphore_mem>>)
    %while3A_29 = arith.constant 0 : i32
    %while3A_30 = arith.constant 32 : i32
    %while3A_31 = arith.constant 0 : i32
    %while3A_32 = arith.constant 40 : i32
    %while3A_33 = arith.subi %while3A_32, %while3A_31 : i32
    %while3A_34 = arith.addi %while3A_31, %while3A_33 : i32
    %while3A_35 = arith.constant 1 : i32
    %while3A_36 = arith.divsi %while3A_33, %while3A_35 : i32
    %while3A_37 = arith.muli %while3A_36, %while3A_35 : i32
    %while3A_38 = arith.addi %while3A_31, %while3A_37 : i32
    %while3A_39 = arith.constant 1 : i32
    scf.for %while3A_66 = %while3A_31 to %while3A_38 step %while3A_39  : i32 {
      %dma_wait3A = arith.constant 0 : i32
      %dma_wait3A_67 = tpu.memref_slice %arg2[%dma_wait3A] : memref<327680xi32, #tpu.memory_space<hbm>> -> memref<4096xi32, #tpu.memory_space<hbm>>
      %dma_wait3A_68 = tpu.memref_slice %arg2[%dma_wait3A] : memref<327680xi32, #tpu.memory_space<hbm>> -> memref<4096xi32, #tpu.memory_space<hbm>>
      tpu.wait_dma2 semaphore(%arg10 : memref<!tpu.dma_semaphore, #tpu.memory_space<semaphore_mem>>) src(%dma_wait3A_68 : memref<4096xi32, #tpu.memory_space<hbm>>) dst(%arg5 : memref<4096xi32, #tpu.memory_space<vmem>>)
      %while3A_69 = arith.constant 0 : i32
      %while3A_70 = arith.constant 0 : i32
      %while3A_71 = arith.constant 256 : i32
      %while3A_72 = arith.subi %while3A_71, %while3A_70 : i32
      %while3A_73 = arith.addi %while3A_70, %while3A_72 : i32
      %while3A_74 = arith.constant 1 : i32
      %while3A_75 = arith.divsi %while3A_72, %while3A_74 : i32
      %while3A_76 = arith.muli %while3A_75, %while3A_74 : i32
      %while3A_77 = arith.addi %while3A_70, %while3A_76 : i32
      %while3A_78 = arith.constant 1 : i32
      scf.for %while3A_101 = %while3A_70 to %while3A_77 step %while3A_78  : i32 {
        %mul3A_102 = arith.constant 16 : i32
        %mul3A_103 = arith.muli %while3A_101, %mul3A_102 : i32
        %get3A = arith.index_cast %mul3A_103 : i32 to index
        %get3A_104 = tpu.vector_load %arg5[%get3A] {strides = array<i32>} : memref<4096xi32, #tpu.memory_space<vmem>>, vector<16xi32>,
        %shift_right_logical3A = arith.constant 14 : i32
        %shift_right_logical3A_105 = vector.broadcast %shift_right_logical3A : i32 to vector<16xi32>
        %shift_right_logical3A_106 = arith.shrui %get3A_104, %shift_right_logical3A_105 : vector<16xi32>
        %and3A = arith.constant 16383 : i32
        %and3A_107 = vector.broadcast %and3A : i32 to vector<16xi32>
        %and3A_108 = arith.andi %get3A_104, %and3A_107 : vector<16xi32>
        %sub3A = vector.broadcast %mul3A_2 : i32 to vector<16xi32>
        %sub3A_109 = arith.subi %shift_right_logical3A_106, %sub3A : vector<16xi32>
        %ge3A = arith.constant 0 : i32
        %ge3A_110 = vector.broadcast %ge3A : i32 to vector<16xi32>
        %ge3A_111 = arith.cmpi sge, %sub3A_109, %ge3A_110 : vector<16xi32>
        %lt3A_112 = arith.constant 320 : i32
        %lt3A_113 = vector.broadcast %lt3A_112 : i32 to vector<16xi32>
        %lt3A_114 = arith.cmpi slt, %sub3A_109, %lt3A_113 : vector<16xi32>
        %and3A_115 = arith.andi %ge3A_111, %lt3A_114 : vector<16xi1>
        %max3A = arith.constant 0 : i32
        %max3A_116 = vector.broadcast %max3A : i32 to vector<16xi32>
        %max3A_117 = arith.maxsi %sub3A_109, %max3A_116 : vector<16xi32>
        %min3A = arith.constant 319 : i32
        %min3A_118 = vector.broadcast %min3A : i32 to vector<16xi32>
        %min3A_119 = arith.minsi %max3A_117, %min3A_118 : vector<16xi32>
        %gather3A = tpu.vector_load_idx %arg9[%min3A_119] masked %and3A_115 : memref<320xi32, #tpu.memory_space<vmem>>[vector<16xi32>], vector<16xi32>, vector<16xi1>
        %unique3A, %unique3A_120 = tpu.scan_count mask(%and3A_115 : vector<16xi1>) value(%shift_right_logical3A_106 : vector<16xi32>) : vector<16xi1>, vector<16xi32>
        %add3A_121 = arith.addi %gather3A, %unique3A_120 : vector<16xi32>
        %sub3A_122 = arith.constant 1 : i32
        %sub3A_123 = vector.broadcast %sub3A_122 : i32 to vector<16xi32>
        %sub3A_124 = arith.subi %add3A_121, %sub3A_123 : vector<16xi32>
        %lt3A_125 = vector.broadcast %while3A_30 : i32 to vector<16xi32>
        %lt3A_126 = arith.cmpi slt, %sub3A_124, %lt3A_125 : vector<16xi32>
        %and3A_127 = arith.andi %and3A_115, %lt3A_126 : vector<16xi1>
        %max3A_128 = arith.constant 0 : i32
        %max3A_129 = vector.broadcast %max3A_128 : i32 to vector<16xi32>
        %max3A_130 = arith.maxsi %sub3A_124, %max3A_129 : vector<16xi32>
        %sub3A_131 = arith.constant 1 : i32
        %sub3A_132 = arith.subi %while3A_30, %sub3A_131 : i32
        %min3A_133 = vector.broadcast %sub3A_132 : i32 to vector<16xi32>
        %min3A_134 = arith.minsi %max3A_130, %min3A_133 : vector<16xi32>
        %mul3A_135 = vector.broadcast %while3A_30 : i32 to vector<16xi32>
        %mul3A_136 = arith.muli %min3A_119, %mul3A_135 : vector<16xi32>
        %add3A_137 = arith.addi %mul3A_136, %min3A_134 : vector<16xi32>
        tpu.vector_store_idx %arg7[%add3A_137], %and3A_108 masked %and3A_127 : memref<10240xi32, #tpu.memory_space<vmem>>[vector<16xi32>], vector<16xi32>, vector<16xi1>
        %add3A_138 = arith.addi %gather3A, %unique3A_120 : vector<16xi32>
        %and3A_139 = arith.andi %and3A_115, %unique3A : vector<16xi1>
        tpu.vector_store_idx %arg9[%min3A_119], %add3A_138 masked %and3A_139 : memref<320xi32, #tpu.memory_space<vmem>>[vector<16xi32>], vector<16xi32>, vector<16xi1>
      }
      %while3A_79 = arith.constant 1 : i32
      scf.for %while3A_101 = %while3A_77 to %while3A_73 step %while3A_79  : i32 {
        %mul3A_102 = arith.constant 16 : i32
        %mul3A_103 = arith.muli %while3A_101, %mul3A_102 : i32
        %get3A = arith.index_cast %mul3A_103 : i32 to index
        %get3A_104 = tpu.vector_load %arg5[%get3A] {strides = array<i32>} : memref<4096xi32, #tpu.memory_space<vmem>>, vector<16xi32>,
        %shift_right_logical3A = arith.constant 14 : i32
        %shift_right_logical3A_105 = vector.broadcast %shift_right_logical3A : i32 to vector<16xi32>
        %shift_right_logical3A_106 = arith.shrui %get3A_104, %shift_right_logical3A_105 : vector<16xi32>
        %and3A = arith.constant 16383 : i32
        %and3A_107 = vector.broadcast %and3A : i32 to vector<16xi32>
        %and3A_108 = arith.andi %get3A_104, %and3A_107 : vector<16xi32>
        %sub3A = vector.broadcast %mul3A_2 : i32 to vector<16xi32>
        %sub3A_109 = arith.subi %shift_right_logical3A_106, %sub3A : vector<16xi32>
        %ge3A = arith.constant 0 : i32
        %ge3A_110 = vector.broadcast %ge3A : i32 to vector<16xi32>
        %ge3A_111 = arith.cmpi sge, %sub3A_109, %ge3A_110 : vector<16xi32>
        %lt3A_112 = arith.constant 320 : i32
        %lt3A_113 = vector.broadcast %lt3A_112 : i32 to vector<16xi32>
        %lt3A_114 = arith.cmpi slt, %sub3A_109, %lt3A_113 : vector<16xi32>
        %and3A_115 = arith.andi %ge3A_111, %lt3A_114 : vector<16xi1>
        %max3A = arith.constant 0 : i32
        %max3A_116 = vector.broadcast %max3A : i32 to vector<16xi32>
        %max3A_117 = arith.maxsi %sub3A_109, %max3A_116 : vector<16xi32>
        %min3A = arith.constant 319 : i32
        %min3A_118 = vector.broadcast %min3A : i32 to vector<16xi32>
        %min3A_119 = arith.minsi %max3A_117, %min3A_118 : vector<16xi32>
        %gather3A = tpu.vector_load_idx %arg9[%min3A_119] masked %and3A_115 : memref<320xi32, #tpu.memory_space<vmem>>[vector<16xi32>], vector<16xi32>, vector<16xi1>
        %unique3A, %unique3A_120 = tpu.scan_count mask(%and3A_115 : vector<16xi1>) value(%shift_right_logical3A_106 : vector<16xi32>) : vector<16xi1>, vector<16xi32>
        %add3A_121 = arith.addi %gather3A, %unique3A_120 : vector<16xi32>
        %sub3A_122 = arith.constant 1 : i32
        %sub3A_123 = vector.broadcast %sub3A_122 : i32 to vector<16xi32>
        %sub3A_124 = arith.subi %add3A_121, %sub3A_123 : vector<16xi32>
        %lt3A_125 = vector.broadcast %while3A_30 : i32 to vector<16xi32>
        %lt3A_126 = arith.cmpi slt, %sub3A_124, %lt3A_125 : vector<16xi32>
        %and3A_127 = arith.andi %and3A_115, %lt3A_126 : vector<16xi1>
        %max3A_128 = arith.constant 0 : i32
        %max3A_129 = vector.broadcast %max3A_128 : i32 to vector<16xi32>
        %max3A_130 = arith.maxsi %sub3A_124, %max3A_129 : vector<16xi32>
        %sub3A_131 = arith.constant 1 : i32
        %sub3A_132 = arith.subi %while3A_30, %sub3A_131 : i32
        %min3A_133 = vector.broadcast %sub3A_132 : i32 to vector<16xi32>
        %min3A_134 = arith.minsi %max3A_130, %min3A_133 : vector<16xi32>
        %mul3A_135 = vector.broadcast %while3A_30 : i32 to vector<16xi32>
        %mul3A_136 = arith.muli %min3A_119, %mul3A_135 : vector<16xi32>
        %add3A_137 = arith.addi %mul3A_136, %min3A_134 : vector<16xi32>
        tpu.vector_store_idx %arg7[%add3A_137], %and3A_108 masked %and3A_127 : memref<10240xi32, #tpu.memory_space<vmem>>[vector<16xi32>], vector<16xi32>, vector<16xi1>
        %add3A_138 = arith.addi %gather3A, %unique3A_120 : vector<16xi32>
        %and3A_139 = arith.andi %and3A_115, %unique3A : vector<16xi1>
        tpu.vector_store_idx %arg9[%min3A_119], %add3A_138 masked %and3A_139 : memref<320xi32, #tpu.memory_space<vmem>>[vector<16xi32>], vector<16xi32>, vector<16xi1>
      }
      %lt3A = arith.constant 39 : i32
      %lt3A_80 = arith.cmpi slt, %while3A_66, %lt3A : i32
      %convert_element_type3A = arith.extui %lt3A_80 : i1 to i32
      %cond3A = arith.constant 0 : i32
      %cond3A_81 = arith.cmpi ne, %convert_element_type3A, %cond3A : i32
      scf.if %cond3A_81 {
        %mul3A_101 = arith.constant 2 : i32
        %mul3A_102 = arith.muli %mul3A_101, %while3A_66 : i32
        %add3A_103 = arith.constant 2 : i32
        %add3A_104 = arith.addi %mul3A_102, %add3A_103 : i32
        %mul3A_105 = arith.constant 4096 : i32
        %mul3A_106 = arith.muli %add3A_104, %mul3A_105 : i32
        %dma_start3A_107 = tpu.memref_slice %arg2[%mul3A_106] : memref<327680xi32, #tpu.memory_space<hbm>> -> memref<4096xi32, #tpu.memory_space<hbm>>
        %dma_start3A_108 = tpu.memref_slice %arg2[%mul3A_106] : memref<327680xi32, #tpu.memory_space<hbm>> -> memref<4096xi32, #tpu.memory_space<hbm>>
        tpu.enqueue_dma source(%dma_start3A_108 : memref<4096xi32, #tpu.memory_space<hbm>>) target(%arg5 : memref<4096xi32, #tpu.memory_space<vmem>>) target_semaphore(%arg10 : memref<!tpu.dma_semaphore, #tpu.memory_space<semaphore_mem>>)
      } else {
      }
      %dma_wait3A_82 = arith.constant 0 : i32
      %dma_wait3A_83 = tpu.memref_slice %arg2[%dma_wait3A_82] : memref<327680xi32, #tpu.memory_space<hbm>> -> memref<4096xi32, #tpu.memory_space<hbm>>
      %dma_wait3A_84 = tpu.memref_slice %arg2[%dma_wait3A_82] : memref<327680xi32, #tpu.memory_space<hbm>> -> memref<4096xi32, #tpu.memory_space<hbm>>
      tpu.wait_dma2 semaphore(%arg11 : memref<!tpu.dma_semaphore, #tpu.memory_space<semaphore_mem>>) src(%dma_wait3A_84 : memref<4096xi32, #tpu.memory_space<hbm>>) dst(%arg6 : memref<4096xi32, #tpu.memory_space<vmem>>)
      %while3A_85 = arith.constant 0 : i32
      %while3A_86 = arith.constant 0 : i32
      %while3A_87 = arith.constant 256 : i32
      %while3A_88 = arith.subi %while3A_87, %while3A_86 : i32
      %while3A_89 = arith.addi %while3A_86, %while3A_88 : i32
      %while3A_90 = arith.constant 1 : i32
      %while3A_91 = arith.divsi %while3A_88, %while3A_90 : i32
      %while3A_92 = arith.muli %while3A_91, %while3A_90 : i32
      %while3A_93 = arith.addi %while3A_86, %while3A_92 : i32
      %while3A_94 = arith.constant 1 : i32
      scf.for %while3A_101 = %while3A_86 to %while3A_93 step %while3A_94  : i32 {
        %mul3A_102 = arith.constant 16 : i32
        %mul3A_103 = arith.muli %while3A_101, %mul3A_102 : i32
        %get3A = arith.index_cast %mul3A_103 : i32 to index
        %get3A_104 = tpu.vector_load %arg6[%get3A] {strides = array<i32>} : memref<4096xi32, #tpu.memory_space<vmem>>, vector<16xi32>,
        %shift_right_logical3A = arith.constant 14 : i32
        %shift_right_logical3A_105 = vector.broadcast %shift_right_logical3A : i32 to vector<16xi32>
        %shift_right_logical3A_106 = arith.shrui %get3A_104, %shift_right_logical3A_105 : vector<16xi32>
        %and3A = arith.constant 16383 : i32
        %and3A_107 = vector.broadcast %and3A : i32 to vector<16xi32>
        %and3A_108 = arith.andi %get3A_104, %and3A_107 : vector<16xi32>
        %sub3A = vector.broadcast %mul3A_2 : i32 to vector<16xi32>
        %sub3A_109 = arith.subi %shift_right_logical3A_106, %sub3A : vector<16xi32>
        %ge3A = arith.constant 0 : i32
        %ge3A_110 = vector.broadcast %ge3A : i32 to vector<16xi32>
        %ge3A_111 = arith.cmpi sge, %sub3A_109, %ge3A_110 : vector<16xi32>
        %lt3A_112 = arith.constant 320 : i32
        %lt3A_113 = vector.broadcast %lt3A_112 : i32 to vector<16xi32>
        %lt3A_114 = arith.cmpi slt, %sub3A_109, %lt3A_113 : vector<16xi32>
        %and3A_115 = arith.andi %ge3A_111, %lt3A_114 : vector<16xi1>
        %max3A = arith.constant 0 : i32
        %max3A_116 = vector.broadcast %max3A : i32 to vector<16xi32>
        %max3A_117 = arith.maxsi %sub3A_109, %max3A_116 : vector<16xi32>
        %min3A = arith.constant 319 : i32
        %min3A_118 = vector.broadcast %min3A : i32 to vector<16xi32>
        %min3A_119 = arith.minsi %max3A_117, %min3A_118 : vector<16xi32>
        %gather3A = tpu.vector_load_idx %arg9[%min3A_119] masked %and3A_115 : memref<320xi32, #tpu.memory_space<vmem>>[vector<16xi32>], vector<16xi32>, vector<16xi1>
        %unique3A, %unique3A_120 = tpu.scan_count mask(%and3A_115 : vector<16xi1>) value(%shift_right_logical3A_106 : vector<16xi32>) : vector<16xi1>, vector<16xi32>
        %add3A_121 = arith.addi %gather3A, %unique3A_120 : vector<16xi32>
        %sub3A_122 = arith.constant 1 : i32
        %sub3A_123 = vector.broadcast %sub3A_122 : i32 to vector<16xi32>
        %sub3A_124 = arith.subi %add3A_121, %sub3A_123 : vector<16xi32>
        %lt3A_125 = vector.broadcast %while3A_30 : i32 to vector<16xi32>
        %lt3A_126 = arith.cmpi slt, %sub3A_124, %lt3A_125 : vector<16xi32>
        %and3A_127 = arith.andi %and3A_115, %lt3A_126 : vector<16xi1>
        %max3A_128 = arith.constant 0 : i32
        %max3A_129 = vector.broadcast %max3A_128 : i32 to vector<16xi32>
        %max3A_130 = arith.maxsi %sub3A_124, %max3A_129 : vector<16xi32>
        %sub3A_131 = arith.constant 1 : i32
        %sub3A_132 = arith.subi %while3A_30, %sub3A_131 : i32
        %min3A_133 = vector.broadcast %sub3A_132 : i32 to vector<16xi32>
        %min3A_134 = arith.minsi %max3A_130, %min3A_133 : vector<16xi32>
        %mul3A_135 = vector.broadcast %while3A_30 : i32 to vector<16xi32>
        %mul3A_136 = arith.muli %min3A_119, %mul3A_135 : vector<16xi32>
        %add3A_137 = arith.addi %mul3A_136, %min3A_134 : vector<16xi32>
        tpu.vector_store_idx %arg7[%add3A_137], %and3A_108 masked %and3A_127 : memref<10240xi32, #tpu.memory_space<vmem>>[vector<16xi32>], vector<16xi32>, vector<16xi1>
        %add3A_138 = arith.addi %gather3A, %unique3A_120 : vector<16xi32>
        %and3A_139 = arith.andi %and3A_115, %unique3A : vector<16xi1>
        tpu.vector_store_idx %arg9[%min3A_119], %add3A_138 masked %and3A_139 : memref<320xi32, #tpu.memory_space<vmem>>[vector<16xi32>], vector<16xi32>, vector<16xi1>
      }
      %while3A_95 = arith.constant 1 : i32
      scf.for %while3A_101 = %while3A_93 to %while3A_89 step %while3A_95  : i32 {
        %mul3A_102 = arith.constant 16 : i32
        %mul3A_103 = arith.muli %while3A_101, %mul3A_102 : i32
        %get3A = arith.index_cast %mul3A_103 : i32 to index
        %get3A_104 = tpu.vector_load %arg6[%get3A] {strides = array<i32>} : memref<4096xi32, #tpu.memory_space<vmem>>, vector<16xi32>,
        %shift_right_logical3A = arith.constant 14 : i32
        %shift_right_logical3A_105 = vector.broadcast %shift_right_logical3A : i32 to vector<16xi32>
        %shift_right_logical3A_106 = arith.shrui %get3A_104, %shift_right_logical3A_105 : vector<16xi32>
        %and3A = arith.constant 16383 : i32
        %and3A_107 = vector.broadcast %and3A : i32 to vector<16xi32>
        %and3A_108 = arith.andi %get3A_104, %and3A_107 : vector<16xi32>
        %sub3A = vector.broadcast %mul3A_2 : i32 to vector<16xi32>
        %sub3A_109 = arith.subi %shift_right_logical3A_106, %sub3A : vector<16xi32>
        %ge3A = arith.constant 0 : i32
        %ge3A_110 = vector.broadcast %ge3A : i32 to vector<16xi32>
        %ge3A_111 = arith.cmpi sge, %sub3A_109, %ge3A_110 : vector<16xi32>
        %lt3A_112 = arith.constant 320 : i32
        %lt3A_113 = vector.broadcast %lt3A_112 : i32 to vector<16xi32>
        %lt3A_114 = arith.cmpi slt, %sub3A_109, %lt3A_113 : vector<16xi32>
        %and3A_115 = arith.andi %ge3A_111, %lt3A_114 : vector<16xi1>
        %max3A = arith.constant 0 : i32
        %max3A_116 = vector.broadcast %max3A : i32 to vector<16xi32>
        %max3A_117 = arith.maxsi %sub3A_109, %max3A_116 : vector<16xi32>
        %min3A = arith.constant 319 : i32
        %min3A_118 = vector.broadcast %min3A : i32 to vector<16xi32>
        %min3A_119 = arith.minsi %max3A_117, %min3A_118 : vector<16xi32>
        %gather3A = tpu.vector_load_idx %arg9[%min3A_119] masked %and3A_115 : memref<320xi32, #tpu.memory_space<vmem>>[vector<16xi32>], vector<16xi32>, vector<16xi1>
        %unique3A, %unique3A_120 = tpu.scan_count mask(%and3A_115 : vector<16xi1>) value(%shift_right_logical3A_106 : vector<16xi32>) : vector<16xi1>, vector<16xi32>
        %add3A_121 = arith.addi %gather3A, %unique3A_120 : vector<16xi32>
        %sub3A_122 = arith.constant 1 : i32
        %sub3A_123 = vector.broadcast %sub3A_122 : i32 to vector<16xi32>
        %sub3A_124 = arith.subi %add3A_121, %sub3A_123 : vector<16xi32>
        %lt3A_125 = vector.broadcast %while3A_30 : i32 to vector<16xi32>
        %lt3A_126 = arith.cmpi slt, %sub3A_124, %lt3A_125 : vector<16xi32>
        %and3A_127 = arith.andi %and3A_115, %lt3A_126 : vector<16xi1>
        %max3A_128 = arith.constant 0 : i32
        %max3A_129 = vector.broadcast %max3A_128 : i32 to vector<16xi32>
        %max3A_130 = arith.maxsi %sub3A_124, %max3A_129 : vector<16xi32>
        %sub3A_131 = arith.constant 1 : i32
        %sub3A_132 = arith.subi %while3A_30, %sub3A_131 : i32
        %min3A_133 = vector.broadcast %sub3A_132 : i32 to vector<16xi32>
        %min3A_134 = arith.minsi %max3A_130, %min3A_133 : vector<16xi32>
        %mul3A_135 = vector.broadcast %while3A_30 : i32 to vector<16xi32>
        %mul3A_136 = arith.muli %min3A_119, %mul3A_135 : vector<16xi32>
        %add3A_137 = arith.addi %mul3A_136, %min3A_134 : vector<16xi32>
        tpu.vector_store_idx %arg7[%add3A_137], %and3A_108 masked %and3A_127 : memref<10240xi32, #tpu.memory_space<vmem>>[vector<16xi32>], vector<16xi32>, vector<16xi1>
        %add3A_138 = arith.addi %gather3A, %unique3A_120 : vector<16xi32>
        %and3A_139 = arith.andi %and3A_115, %unique3A : vector<16xi1>
        tpu.vector_store_idx %arg9[%min3A_119], %add3A_138 masked %and3A_139 : memref<320xi32, #tpu.memory_space<vmem>>[vector<16xi32>], vector<16xi32>, vector<16xi1>
      }
      %lt3A_96 = arith.constant 39 : i32
      %lt3A_97 = arith.cmpi slt, %while3A_66, %lt3A_96 : i32
      %convert_element_type3A_98 = arith.extui %lt3A_97 : i1 to i32
      %cond3A_99 = arith.constant 0 : i32
      %cond3A_100 = arith.cmpi ne, %convert_element_type3A_98, %cond3A_99 : i32
      scf.if %cond3A_100 {
        %mul3A_101 = arith.constant 2 : i32
        %mul3A_102 = arith.muli %mul3A_101, %while3A_66 : i32
        %add3A_103 = arith.constant 3 : i32
        %add3A_104 = arith.addi %mul3A_102, %add3A_103 : i32
        %mul3A_105 = arith.constant 4096 : i32
        %mul3A_106 = arith.muli %add3A_104, %mul3A_105 : i32
        %dma_start3A_107 = tpu.memref_slice %arg2[%mul3A_106] : memref<327680xi32, #tpu.memory_space<hbm>> -> memref<4096xi32, #tpu.memory_space<hbm>>
        %dma_start3A_108 = tpu.memref_slice %arg2[%mul3A_106] : memref<327680xi32, #tpu.memory_space<hbm>> -> memref<4096xi32, #tpu.memory_space<hbm>>
        tpu.enqueue_dma source(%dma_start3A_108 : memref<4096xi32, #tpu.memory_space<hbm>>) target(%arg6 : memref<4096xi32, #tpu.memory_space<vmem>>) target_semaphore(%arg11 : memref<!tpu.dma_semaphore, #tpu.memory_space<semaphore_mem>>)
      } else {
      }
    }
    %while3A_40 = arith.constant 1 : i32
    scf.for %while3A_66 = %while3A_38 to %while3A_34 step %while3A_40  : i32 {
      %dma_wait3A = arith.constant 0 : i32
      %dma_wait3A_67 = tpu.memref_slice %arg2[%dma_wait3A] : memref<327680xi32, #tpu.memory_space<hbm>> -> memref<4096xi32, #tpu.memory_space<hbm>>
      %dma_wait3A_68 = tpu.memref_slice %arg2[%dma_wait3A] : memref<327680xi32, #tpu.memory_space<hbm>> -> memref<4096xi32, #tpu.memory_space<hbm>>
      tpu.wait_dma2 semaphore(%arg10 : memref<!tpu.dma_semaphore, #tpu.memory_space<semaphore_mem>>) src(%dma_wait3A_68 : memref<4096xi32, #tpu.memory_space<hbm>>) dst(%arg5 : memref<4096xi32, #tpu.memory_space<vmem>>)
      %while3A_69 = arith.constant 0 : i32
      %while3A_70 = arith.constant 0 : i32
      %while3A_71 = arith.constant 256 : i32
      %while3A_72 = arith.subi %while3A_71, %while3A_70 : i32
      %while3A_73 = arith.addi %while3A_70, %while3A_72 : i32
      %while3A_74 = arith.constant 1 : i32
      %while3A_75 = arith.divsi %while3A_72, %while3A_74 : i32
      %while3A_76 = arith.muli %while3A_75, %while3A_74 : i32
      %while3A_77 = arith.addi %while3A_70, %while3A_76 : i32
      %while3A_78 = arith.constant 1 : i32
      scf.for %while3A_101 = %while3A_70 to %while3A_77 step %while3A_78  : i32 {
        %mul3A_102 = arith.constant 16 : i32
        %mul3A_103 = arith.muli %while3A_101, %mul3A_102 : i32
        %get3A = arith.index_cast %mul3A_103 : i32 to index
        %get3A_104 = tpu.vector_load %arg5[%get3A] {strides = array<i32>} : memref<4096xi32, #tpu.memory_space<vmem>>, vector<16xi32>,
        %shift_right_logical3A = arith.constant 14 : i32
        %shift_right_logical3A_105 = vector.broadcast %shift_right_logical3A : i32 to vector<16xi32>
        %shift_right_logical3A_106 = arith.shrui %get3A_104, %shift_right_logical3A_105 : vector<16xi32>
        %and3A = arith.constant 16383 : i32
        %and3A_107 = vector.broadcast %and3A : i32 to vector<16xi32>
        %and3A_108 = arith.andi %get3A_104, %and3A_107 : vector<16xi32>
        %sub3A = vector.broadcast %mul3A_2 : i32 to vector<16xi32>
        %sub3A_109 = arith.subi %shift_right_logical3A_106, %sub3A : vector<16xi32>
        %ge3A = arith.constant 0 : i32
        %ge3A_110 = vector.broadcast %ge3A : i32 to vector<16xi32>
        %ge3A_111 = arith.cmpi sge, %sub3A_109, %ge3A_110 : vector<16xi32>
        %lt3A_112 = arith.constant 320 : i32
        %lt3A_113 = vector.broadcast %lt3A_112 : i32 to vector<16xi32>
        %lt3A_114 = arith.cmpi slt, %sub3A_109, %lt3A_113 : vector<16xi32>
        %and3A_115 = arith.andi %ge3A_111, %lt3A_114 : vector<16xi1>
        %max3A = arith.constant 0 : i32
        %max3A_116 = vector.broadcast %max3A : i32 to vector<16xi32>
        %max3A_117 = arith.maxsi %sub3A_109, %max3A_116 : vector<16xi32>
        %min3A = arith.constant 319 : i32
        %min3A_118 = vector.broadcast %min3A : i32 to vector<16xi32>
        %min3A_119 = arith.minsi %max3A_117, %min3A_118 : vector<16xi32>
        %gather3A = tpu.vector_load_idx %arg9[%min3A_119] masked %and3A_115 : memref<320xi32, #tpu.memory_space<vmem>>[vector<16xi32>], vector<16xi32>, vector<16xi1>
        %unique3A, %unique3A_120 = tpu.scan_count mask(%and3A_115 : vector<16xi1>) value(%shift_right_logical3A_106 : vector<16xi32>) : vector<16xi1>, vector<16xi32>
        %add3A_121 = arith.addi %gather3A, %unique3A_120 : vector<16xi32>
        %sub3A_122 = arith.constant 1 : i32
        %sub3A_123 = vector.broadcast %sub3A_122 : i32 to vector<16xi32>
        %sub3A_124 = arith.subi %add3A_121, %sub3A_123 : vector<16xi32>
        %lt3A_125 = vector.broadcast %while3A_30 : i32 to vector<16xi32>
        %lt3A_126 = arith.cmpi slt, %sub3A_124, %lt3A_125 : vector<16xi32>
        %and3A_127 = arith.andi %and3A_115, %lt3A_126 : vector<16xi1>
        %max3A_128 = arith.constant 0 : i32
        %max3A_129 = vector.broadcast %max3A_128 : i32 to vector<16xi32>
        %max3A_130 = arith.maxsi %sub3A_124, %max3A_129 : vector<16xi32>
        %sub3A_131 = arith.constant 1 : i32
        %sub3A_132 = arith.subi %while3A_30, %sub3A_131 : i32
        %min3A_133 = vector.broadcast %sub3A_132 : i32 to vector<16xi32>
        %min3A_134 = arith.minsi %max3A_130, %min3A_133 : vector<16xi32>
        %mul3A_135 = vector.broadcast %while3A_30 : i32 to vector<16xi32>
        %mul3A_136 = arith.muli %min3A_119, %mul3A_135 : vector<16xi32>
        %add3A_137 = arith.addi %mul3A_136, %min3A_134 : vector<16xi32>
        tpu.vector_store_idx %arg7[%add3A_137], %and3A_108 masked %and3A_127 : memref<10240xi32, #tpu.memory_space<vmem>>[vector<16xi32>], vector<16xi32>, vector<16xi1>
        %add3A_138 = arith.addi %gather3A, %unique3A_120 : vector<16xi32>
        %and3A_139 = arith.andi %and3A_115, %unique3A : vector<16xi1>
        tpu.vector_store_idx %arg9[%min3A_119], %add3A_138 masked %and3A_139 : memref<320xi32, #tpu.memory_space<vmem>>[vector<16xi32>], vector<16xi32>, vector<16xi1>
      }
      %while3A_79 = arith.constant 1 : i32
      scf.for %while3A_101 = %while3A_77 to %while3A_73 step %while3A_79  : i32 {
        %mul3A_102 = arith.constant 16 : i32
        %mul3A_103 = arith.muli %while3A_101, %mul3A_102 : i32
        %get3A = arith.index_cast %mul3A_103 : i32 to index
        %get3A_104 = tpu.vector_load %arg5[%get3A] {strides = array<i32>} : memref<4096xi32, #tpu.memory_space<vmem>>, vector<16xi32>,
        %shift_right_logical3A = arith.constant 14 : i32
        %shift_right_logical3A_105 = vector.broadcast %shift_right_logical3A : i32 to vector<16xi32>
        %shift_right_logical3A_106 = arith.shrui %get3A_104, %shift_right_logical3A_105 : vector<16xi32>
        %and3A = arith.constant 16383 : i32
        %and3A_107 = vector.broadcast %and3A : i32 to vector<16xi32>
        %and3A_108 = arith.andi %get3A_104, %and3A_107 : vector<16xi32>
        %sub3A = vector.broadcast %mul3A_2 : i32 to vector<16xi32>
        %sub3A_109 = arith.subi %shift_right_logical3A_106, %sub3A : vector<16xi32>
        %ge3A = arith.constant 0 : i32
        %ge3A_110 = vector.broadcast %ge3A : i32 to vector<16xi32>
        %ge3A_111 = arith.cmpi sge, %sub3A_109, %ge3A_110 : vector<16xi32>
        %lt3A_112 = arith.constant 320 : i32
        %lt3A_113 = vector.broadcast %lt3A_112 : i32 to vector<16xi32>
        %lt3A_114 = arith.cmpi slt, %sub3A_109, %lt3A_113 : vector<16xi32>
        %and3A_115 = arith.andi %ge3A_111, %lt3A_114 : vector<16xi1>
        %max3A = arith.constant 0 : i32
        %max3A_116 = vector.broadcast %max3A : i32 to vector<16xi32>
        %max3A_117 = arith.maxsi %sub3A_109, %max3A_116 : vector<16xi32>
        %min3A = arith.constant 319 : i32
        %min3A_118 = vector.broadcast %min3A : i32 to vector<16xi32>
        %min3A_119 = arith.minsi %max3A_117, %min3A_118 : vector<16xi32>
        %gather3A = tpu.vector_load_idx %arg9[%min3A_119] masked %and3A_115 : memref<320xi32, #tpu.memory_space<vmem>>[vector<16xi32>], vector<16xi32>, vector<16xi1>
        %unique3A, %unique3A_120 = tpu.scan_count mask(%and3A_115 : vector<16xi1>) value(%shift_right_logical3A_106 : vector<16xi32>) : vector<16xi1>, vector<16xi32>
        %add3A_121 = arith.addi %gather3A, %unique3A_120 : vector<16xi32>
        %sub3A_122 = arith.constant 1 : i32
        %sub3A_123 = vector.broadcast %sub3A_122 : i32 to vector<16xi32>
        %sub3A_124 = arith.subi %add3A_121, %sub3A_123 : vector<16xi32>
        %lt3A_125 = vector.broadcast %while3A_30 : i32 to vector<16xi32>
        %lt3A_126 = arith.cmpi slt, %sub3A_124, %lt3A_125 : vector<16xi32>
        %and3A_127 = arith.andi %and3A_115, %lt3A_126 : vector<16xi1>
        %max3A_128 = arith.constant 0 : i32
        %max3A_129 = vector.broadcast %max3A_128 : i32 to vector<16xi32>
        %max3A_130 = arith.maxsi %sub3A_124, %max3A_129 : vector<16xi32>
        %sub3A_131 = arith.constant 1 : i32
        %sub3A_132 = arith.subi %while3A_30, %sub3A_131 : i32
        %min3A_133 = vector.broadcast %sub3A_132 : i32 to vector<16xi32>
        %min3A_134 = arith.minsi %max3A_130, %min3A_133 : vector<16xi32>
        %mul3A_135 = vector.broadcast %while3A_30 : i32 to vector<16xi32>
        %mul3A_136 = arith.muli %min3A_119, %mul3A_135 : vector<16xi32>
        %add3A_137 = arith.addi %mul3A_136, %min3A_134 : vector<16xi32>
        tpu.vector_store_idx %arg7[%add3A_137], %and3A_108 masked %and3A_127 : memref<10240xi32, #tpu.memory_space<vmem>>[vector<16xi32>], vector<16xi32>, vector<16xi1>
        %add3A_138 = arith.addi %gather3A, %unique3A_120 : vector<16xi32>
        %and3A_139 = arith.andi %and3A_115, %unique3A : vector<16xi1>
        tpu.vector_store_idx %arg9[%min3A_119], %add3A_138 masked %and3A_139 : memref<320xi32, #tpu.memory_space<vmem>>[vector<16xi32>], vector<16xi32>, vector<16xi1>
      }
      %lt3A = arith.constant 39 : i32
      %lt3A_80 = arith.cmpi slt, %while3A_66, %lt3A : i32
      %convert_element_type3A = arith.extui %lt3A_80 : i1 to i32
      %cond3A = arith.constant 0 : i32
      %cond3A_81 = arith.cmpi ne, %convert_element_type3A, %cond3A : i32
      scf.if %cond3A_81 {
        %mul3A_101 = arith.constant 2 : i32
        %mul3A_102 = arith.muli %mul3A_101, %while3A_66 : i32
        %add3A_103 = arith.constant 2 : i32
        %add3A_104 = arith.addi %mul3A_102, %add3A_103 : i32
        %mul3A_105 = arith.constant 4096 : i32
        %mul3A_106 = arith.muli %add3A_104, %mul3A_105 : i32
        %dma_start3A_107 = tpu.memref_slice %arg2[%mul3A_106] : memref<327680xi32, #tpu.memory_space<hbm>> -> memref<4096xi32, #tpu.memory_space<hbm>>
        %dma_start3A_108 = tpu.memref_slice %arg2[%mul3A_106] : memref<327680xi32, #tpu.memory_space<hbm>> -> memref<4096xi32, #tpu.memory_space<hbm>>
        tpu.enqueue_dma source(%dma_start3A_108 : memref<4096xi32, #tpu.memory_space<hbm>>) target(%arg5 : memref<4096xi32, #tpu.memory_space<vmem>>) target_semaphore(%arg10 : memref<!tpu.dma_semaphore, #tpu.memory_space<semaphore_mem>>)
      } else {
      }
      %dma_wait3A_82 = arith.constant 0 : i32
      %dma_wait3A_83 = tpu.memref_slice %arg2[%dma_wait3A_82] : memref<327680xi32, #tpu.memory_space<hbm>> -> memref<4096xi32, #tpu.memory_space<hbm>>
      %dma_wait3A_84 = tpu.memref_slice %arg2[%dma_wait3A_82] : memref<327680xi32, #tpu.memory_space<hbm>> -> memref<4096xi32, #tpu.memory_space<hbm>>
      tpu.wait_dma2 semaphore(%arg11 : memref<!tpu.dma_semaphore, #tpu.memory_space<semaphore_mem>>) src(%dma_wait3A_84 : memref<4096xi32, #tpu.memory_space<hbm>>) dst(%arg6 : memref<4096xi32, #tpu.memory_space<vmem>>)
      %while3A_85 = arith.constant 0 : i32
      %while3A_86 = arith.constant 0 : i32
      %while3A_87 = arith.constant 256 : i32
      %while3A_88 = arith.subi %while3A_87, %while3A_86 : i32
      %while3A_89 = arith.addi %while3A_86, %while3A_88 : i32
      %while3A_90 = arith.constant 1 : i32
      %while3A_91 = arith.divsi %while3A_88, %while3A_90 : i32
      %while3A_92 = arith.muli %while3A_91, %while3A_90 : i32
      %while3A_93 = arith.addi %while3A_86, %while3A_92 : i32
      %while3A_94 = arith.constant 1 : i32
      scf.for %while3A_101 = %while3A_86 to %while3A_93 step %while3A_94  : i32 {
        %mul3A_102 = arith.constant 16 : i32
        %mul3A_103 = arith.muli %while3A_101, %mul3A_102 : i32
        %get3A = arith.index_cast %mul3A_103 : i32 to index
        %get3A_104 = tpu.vector_load %arg6[%get3A] {strides = array<i32>} : memref<4096xi32, #tpu.memory_space<vmem>>, vector<16xi32>,
        %shift_right_logical3A = arith.constant 14 : i32
        %shift_right_logical3A_105 = vector.broadcast %shift_right_logical3A : i32 to vector<16xi32>
        %shift_right_logical3A_106 = arith.shrui %get3A_104, %shift_right_logical3A_105 : vector<16xi32>
        %and3A = arith.constant 16383 : i32
        %and3A_107 = vector.broadcast %and3A : i32 to vector<16xi32>
        %and3A_108 = arith.andi %get3A_104, %and3A_107 : vector<16xi32>
        %sub3A = vector.broadcast %mul3A_2 : i32 to vector<16xi32>
        %sub3A_109 = arith.subi %shift_right_logical3A_106, %sub3A : vector<16xi32>
        %ge3A = arith.constant 0 : i32
        %ge3A_110 = vector.broadcast %ge3A : i32 to vector<16xi32>
        %ge3A_111 = arith.cmpi sge, %sub3A_109, %ge3A_110 : vector<16xi32>
        %lt3A_112 = arith.constant 320 : i32
        %lt3A_113 = vector.broadcast %lt3A_112 : i32 to vector<16xi32>
        %lt3A_114 = arith.cmpi slt, %sub3A_109, %lt3A_113 : vector<16xi32>
        %and3A_115 = arith.andi %ge3A_111, %lt3A_114 : vector<16xi1>
        %max3A = arith.constant 0 : i32
        %max3A_116 = vector.broadcast %max3A : i32 to vector<16xi32>
        %max3A_117 = arith.maxsi %sub3A_109, %max3A_116 : vector<16xi32>
        %min3A = arith.constant 319 : i32
        %min3A_118 = vector.broadcast %min3A : i32 to vector<16xi32>
        %min3A_119 = arith.minsi %max3A_117, %min3A_118 : vector<16xi32>
        %gather3A = tpu.vector_load_idx %arg9[%min3A_119] masked %and3A_115 : memref<320xi32, #tpu.memory_space<vmem>>[vector<16xi32>], vector<16xi32>, vector<16xi1>
        %unique3A, %unique3A_120 = tpu.scan_count mask(%and3A_115 : vector<16xi1>) value(%shift_right_logical3A_106 : vector<16xi32>) : vector<16xi1>, vector<16xi32>
        %add3A_121 = arith.addi %gather3A, %unique3A_120 : vector<16xi32>
        %sub3A_122 = arith.constant 1 : i32
        %sub3A_123 = vector.broadcast %sub3A_122 : i32 to vector<16xi32>
        %sub3A_124 = arith.subi %add3A_121, %sub3A_123 : vector<16xi32>
        %lt3A_125 = vector.broadcast %while3A_30 : i32 to vector<16xi32>
        %lt3A_126 = arith.cmpi slt, %sub3A_124, %lt3A_125 : vector<16xi32>
        %and3A_127 = arith.andi %and3A_115, %lt3A_126 : vector<16xi1>
        %max3A_128 = arith.constant 0 : i32
        %max3A_129 = vector.broadcast %max3A_128 : i32 to vector<16xi32>
        %max3A_130 = arith.maxsi %sub3A_124, %max3A_129 : vector<16xi32>
        %sub3A_131 = arith.constant 1 : i32
        %sub3A_132 = arith.subi %while3A_30, %sub3A_131 : i32
        %min3A_133 = vector.broadcast %sub3A_132 : i32 to vector<16xi32>
        %min3A_134 = arith.minsi %max3A_130, %min3A_133 : vector<16xi32>
        %mul3A_135 = vector.broadcast %while3A_30 : i32 to vector<16xi32>
        %mul3A_136 = arith.muli %min3A_119, %mul3A_135 : vector<16xi32>
        %add3A_137 = arith.addi %mul3A_136, %min3A_134 : vector<16xi32>
        tpu.vector_store_idx %arg7[%add3A_137], %and3A_108 masked %and3A_127 : memref<10240xi32, #tpu.memory_space<vmem>>[vector<16xi32>], vector<16xi32>, vector<16xi1>
        %add3A_138 = arith.addi %gather3A, %unique3A_120 : vector<16xi32>
        %and3A_139 = arith.andi %and3A_115, %unique3A : vector<16xi1>
        tpu.vector_store_idx %arg9[%min3A_119], %add3A_138 masked %and3A_139 : memref<320xi32, #tpu.memory_space<vmem>>[vector<16xi32>], vector<16xi32>, vector<16xi1>
      }
      %while3A_95 = arith.constant 1 : i32
      scf.for %while3A_101 = %while3A_93 to %while3A_89 step %while3A_95  : i32 {
        %mul3A_102 = arith.constant 16 : i32
        %mul3A_103 = arith.muli %while3A_101, %mul3A_102 : i32
        %get3A = arith.index_cast %mul3A_103 : i32 to index
        %get3A_104 = tpu.vector_load %arg6[%get3A] {strides = array<i32>} : memref<4096xi32, #tpu.memory_space<vmem>>, vector<16xi32>,
        %shift_right_logical3A = arith.constant 14 : i32
        %shift_right_logical3A_105 = vector.broadcast %shift_right_logical3A : i32 to vector<16xi32>
        %shift_right_logical3A_106 = arith.shrui %get3A_104, %shift_right_logical3A_105 : vector<16xi32>
        %and3A = arith.constant 16383 : i32
        %and3A_107 = vector.broadcast %and3A : i32 to vector<16xi32>
        %and3A_108 = arith.andi %get3A_104, %and3A_107 : vector<16xi32>
        %sub3A = vector.broadcast %mul3A_2 : i32 to vector<16xi32>
        %sub3A_109 = arith.subi %shift_right_logical3A_106, %sub3A : vector<16xi32>
        %ge3A = arith.constant 0 : i32
        %ge3A_110 = vector.broadcast %ge3A : i32 to vector<16xi32>
        %ge3A_111 = arith.cmpi sge, %sub3A_109, %ge3A_110 : vector<16xi32>
        %lt3A_112 = arith.constant 320 : i32
        %lt3A_113 = vector.broadcast %lt3A_112 : i32 to vector<16xi32>
        %lt3A_114 = arith.cmpi slt, %sub3A_109, %lt3A_113 : vector<16xi32>
        %and3A_115 = arith.andi %ge3A_111, %lt3A_114 : vector<16xi1>
        %max3A = arith.constant 0 : i32
        %max3A_116 = vector.broadcast %max3A : i32 to vector<16xi32>
        %max3A_117 = arith.maxsi %sub3A_109, %max3A_116 : vector<16xi32>
        %min3A = arith.constant 319 : i32
        %min3A_118 = vector.broadcast %min3A : i32 to vector<16xi32>
        %min3A_119 = arith.minsi %max3A_117, %min3A_118 : vector<16xi32>
        %gather3A = tpu.vector_load_idx %arg9[%min3A_119] masked %and3A_115 : memref<320xi32, #tpu.memory_space<vmem>>[vector<16xi32>], vector<16xi32>, vector<16xi1>
        %unique3A, %unique3A_120 = tpu.scan_count mask(%and3A_115 : vector<16xi1>) value(%shift_right_logical3A_106 : vector<16xi32>) : vector<16xi1>, vector<16xi32>
        %add3A_121 = arith.addi %gather3A, %unique3A_120 : vector<16xi32>
        %sub3A_122 = arith.constant 1 : i32
        %sub3A_123 = vector.broadcast %sub3A_122 : i32 to vector<16xi32>
        %sub3A_124 = arith.subi %add3A_121, %sub3A_123 : vector<16xi32>
        %lt3A_125 = vector.broadcast %while3A_30 : i32 to vector<16xi32>
        %lt3A_126 = arith.cmpi slt, %sub3A_124, %lt3A_125 : vector<16xi32>
        %and3A_127 = arith.andi %and3A_115, %lt3A_126 : vector<16xi1>
        %max3A_128 = arith.constant 0 : i32
        %max3A_129 = vector.broadcast %max3A_128 : i32 to vector<16xi32>
        %max3A_130 = arith.maxsi %sub3A_124, %max3A_129 : vector<16xi32>
        %sub3A_131 = arith.constant 1 : i32
        %sub3A_132 = arith.subi %while3A_30, %sub3A_131 : i32
        %min3A_133 = vector.broadcast %sub3A_132 : i32 to vector<16xi32>
        %min3A_134 = arith.minsi %max3A_130, %min3A_133 : vector<16xi32>
        %mul3A_135 = vector.broadcast %while3A_30 : i32 to vector<16xi32>
        %mul3A_136 = arith.muli %min3A_119, %mul3A_135 : vector<16xi32>
        %add3A_137 = arith.addi %mul3A_136, %min3A_134 : vector<16xi32>
        tpu.vector_store_idx %arg7[%add3A_137], %and3A_108 masked %and3A_127 : memref<10240xi32, #tpu.memory_space<vmem>>[vector<16xi32>], vector<16xi32>, vector<16xi1>
        %add3A_138 = arith.addi %gather3A, %unique3A_120 : vector<16xi32>
        %and3A_139 = arith.andi %and3A_115, %unique3A : vector<16xi1>
        tpu.vector_store_idx %arg9[%min3A_119], %add3A_138 masked %and3A_139 : memref<320xi32, #tpu.memory_space<vmem>>[vector<16xi32>], vector<16xi32>, vector<16xi1>
      }
      %lt3A_96 = arith.constant 39 : i32
      %lt3A_97 = arith.cmpi slt, %while3A_66, %lt3A_96 : i32
      %convert_element_type3A_98 = arith.extui %lt3A_97 : i1 to i32
      %cond3A_99 = arith.constant 0 : i32
      %cond3A_100 = arith.cmpi ne, %convert_element_type3A_98, %cond3A_99 : i32
      scf.if %cond3A_100 {
        %mul3A_101 = arith.constant 2 : i32
        %mul3A_102 = arith.muli %mul3A_101, %while3A_66 : i32
        %add3A_103 = arith.constant 3 : i32
        %add3A_104 = arith.addi %mul3A_102, %add3A_103 : i32
        %mul3A_105 = arith.constant 4096 : i32
        %mul3A_106 = arith.muli %add3A_104, %mul3A_105 : i32
        %dma_start3A_107 = tpu.memref_slice %arg2[%mul3A_106] : memref<327680xi32, #tpu.memory_space<hbm>> -> memref<4096xi32, #tpu.memory_space<hbm>>
        %dma_start3A_108 = tpu.memref_slice %arg2[%mul3A_106] : memref<327680xi32, #tpu.memory_space<hbm>> -> memref<4096xi32, #tpu.memory_space<hbm>>
        tpu.enqueue_dma source(%dma_start3A_108 : memref<4096xi32, #tpu.memory_space<hbm>>) target(%arg6 : memref<4096xi32, #tpu.memory_space<vmem>>) target_semaphore(%arg11 : memref<!tpu.dma_semaphore, #tpu.memory_space<semaphore_mem>>)
      } else {
      }
    }
    %while3A_41 = arith.constant 0 : i32
    %while3A_42 = arith.constant 32 : i32
    %while3A_43 = arith.constant 0 : i32
    %while3A_44 = arith.constant 20 : i32
    %while3A_45 = arith.subi %while3A_44, %while3A_43 : i32
    %while3A_46 = arith.addi %while3A_43, %while3A_45 : i32
    %while3A_47 = arith.constant 1 : i32
    %while3A_48 = arith.divsi %while3A_45, %while3A_47 : i32
    %while3A_49 = arith.muli %while3A_48, %while3A_47 : i32
    %while3A_50 = arith.addi %while3A_43, %while3A_49 : i32
    %while3A_51 = arith.constant 1 : i32
    scf.for %while3A_66 = %while3A_43 to %while3A_50 step %while3A_51  : i32 {
      %mul3A_67 = arith.constant 16 : i32
      %mul3A_68 = arith.muli %while3A_66, %mul3A_67 : i32
      %add3A_69 = vector.broadcast %mul3A_68 : i32 to vector<16xi32>
      %add3A_70 = arith.addi %add3A_69, %iota3A : vector<16xi32>
      %get3A = arith.index_cast %mul3A_68 : i32 to index
      %get3A_71 = tpu.vector_load %arg9[%get3A] {strides = array<i32>} : memref<320xi32, #tpu.memory_space<vmem>>, vector<16xi32>,
      %lt3A = vector.broadcast %while3A_42 : i32 to vector<16xi32>
      %lt3A_72 = arith.cmpi slt, %get3A_71, %lt3A : vector<16xi32>
      %mul3A_73 = vector.broadcast %while3A_42 : i32 to vector<16xi32>
      %mul3A_74 = arith.muli %add3A_70, %mul3A_73 : vector<16xi32>
      %sub3A = arith.constant 1 : i32
      %sub3A_75 = arith.subi %while3A_42, %sub3A : i32
      %min3A = vector.broadcast %sub3A_75 : i32 to vector<16xi32>
      %min3A_76 = arith.minsi %get3A_71, %min3A : vector<16xi32>
      %add3A_77 = arith.addi %mul3A_74, %min3A_76 : vector<16xi32>
      %add3A_78 = vector.broadcast %mul3A_2 : i32 to vector<16xi32>
      %add3A_79 = arith.addi %add3A_78, %add3A_70 : vector<16xi32>
      %min3A_80 = arith.constant 9999 : i32
      %min3A_81 = vector.broadcast %min3A_80 : i32 to vector<16xi32>
      %min3A_82 = arith.minsi %add3A_79, %min3A_81 : vector<16xi32>
      tpu.vector_store_idx %arg7[%add3A_77], %min3A_82 masked %lt3A_72 : memref<10240xi32, #tpu.memory_space<vmem>>[vector<16xi32>], vector<16xi32>, vector<16xi1>
      %convert_element_type3A = arith.extui %lt3A_72 : vector<16xi1> to vector<16xi32>
      %add3A_83 = arith.addi %get3A_71, %convert_element_type3A : vector<16xi32>
      %swap3A = arith.index_cast %mul3A_68 : i32 to index
      %swap3A_84 = tpu.vector_load %arg9[%swap3A] {strides = array<i32>} : memref<320xi32, #tpu.memory_space<vmem>>, vector<16xi32>,
      tpu.vector_store %arg9[%swap3A], %add3A_83 {strides = array<i32>} : memref<320xi32, #tpu.memory_space<vmem>>, vector<16xi32>,
    }
    %while3A_52 = arith.constant 1 : i32
    scf.for %while3A_66 = %while3A_50 to %while3A_46 step %while3A_52  : i32 {
      %mul3A_67 = arith.constant 16 : i32
      %mul3A_68 = arith.muli %while3A_66, %mul3A_67 : i32
      %add3A_69 = vector.broadcast %mul3A_68 : i32 to vector<16xi32>
      %add3A_70 = arith.addi %add3A_69, %iota3A : vector<16xi32>
      %get3A = arith.index_cast %mul3A_68 : i32 to index
      %get3A_71 = tpu.vector_load %arg9[%get3A] {strides = array<i32>} : memref<320xi32, #tpu.memory_space<vmem>>, vector<16xi32>,
      %lt3A = vector.broadcast %while3A_42 : i32 to vector<16xi32>
      %lt3A_72 = arith.cmpi slt, %get3A_71, %lt3A : vector<16xi32>
      %mul3A_73 = vector.broadcast %while3A_42 : i32 to vector<16xi32>
      %mul3A_74 = arith.muli %add3A_70, %mul3A_73 : vector<16xi32>
      %sub3A = arith.constant 1 : i32
      %sub3A_75 = arith.subi %while3A_42, %sub3A : i32
      %min3A = vector.broadcast %sub3A_75 : i32 to vector<16xi32>
      %min3A_76 = arith.minsi %get3A_71, %min3A : vector<16xi32>
      %add3A_77 = arith.addi %mul3A_74, %min3A_76 : vector<16xi32>
      %add3A_78 = vector.broadcast %mul3A_2 : i32 to vector<16xi32>
      %add3A_79 = arith.addi %add3A_78, %add3A_70 : vector<16xi32>
      %min3A_80 = arith.constant 9999 : i32
      %min3A_81 = vector.broadcast %min3A_80 : i32 to vector<16xi32>
      %min3A_82 = arith.minsi %add3A_79, %min3A_81 : vector<16xi32>
      tpu.vector_store_idx %arg7[%add3A_77], %min3A_82 masked %lt3A_72 : memref<10240xi32, #tpu.memory_space<vmem>>[vector<16xi32>], vector<16xi32>, vector<16xi1>
      %convert_element_type3A = arith.extui %lt3A_72 : vector<16xi1> to vector<16xi32>
      %add3A_83 = arith.addi %get3A_71, %convert_element_type3A : vector<16xi32>
      %swap3A = arith.index_cast %mul3A_68 : i32 to index
      %swap3A_84 = tpu.vector_load %arg9[%swap3A] {strides = array<i32>} : memref<320xi32, #tpu.memory_space<vmem>>, vector<16xi32>,
      tpu.vector_store %arg9[%swap3A], %add3A_83 {strides = array<i32>} : memref<320xi32, #tpu.memory_space<vmem>>, vector<16xi32>,
    }
    %while3A_53 = arith.constant 0 : i32
    %while3A_54 = arith.constant 0 : i32
    %while3A_55 = arith.constant 640 : i32
    %while3A_56 = arith.subi %while3A_55, %while3A_54 : i32
    %while3A_57 = arith.addi %while3A_54, %while3A_56 : i32
    %while3A_58 = arith.constant 1 : i32
    %while3A_59 = arith.divsi %while3A_56, %while3A_58 : i32
    %while3A_60 = arith.muli %while3A_59, %while3A_58 : i32
    %while3A_61 = arith.addi %while3A_54, %while3A_60 : i32
    %while3A_62 = arith.constant 1 : i32
    scf.for %while3A_66 = %while3A_54 to %while3A_61 step %while3A_62  : i32 {
      %mul3A_67 = arith.constant 16 : i32
      %mul3A_68 = arith.muli %while3A_66, %mul3A_67 : i32
      %add3A_69 = vector.broadcast %mul3A_68 : i32 to vector<16xi32>
      %add3A_70 = arith.addi %add3A_69, %iota3A : vector<16xi32>
      %shift_right_logical3A = arith.constant 5 : i32
      %shift_right_logical3A_71 = vector.broadcast %shift_right_logical3A : i32 to vector<16xi32>
      %shift_right_logical3A_72 = arith.shrui %add3A_70, %shift_right_logical3A_71 : vector<16xi32>
      %gather3A = tpu.vector_load_idx %arg9[%shift_right_logical3A_72] : memref<320xi32, #tpu.memory_space<vmem>>[vector<16xi32>], vector<16xi32>,
      %and3A = arith.constant 31 : i32
      %and3A_73 = vector.broadcast %and3A : i32 to vector<16xi32>
      %and3A_74 = arith.andi %add3A_70, %and3A_73 : vector<16xi32>
      %lt3A = arith.cmpi slt, %and3A_74, %gather3A : vector<16xi32>
      %convert_element_type3A = arith.extui %lt3A : vector<16xi1> to vector<16xi32>
      %convert_element_type3A_75 = arith.sitofp %convert_element_type3A : vector<16xi32> to vector<16xf32>
      %swap3A = arith.index_cast %mul3A_68 : i32 to index
      %swap3A_76 = tpu.vector_load %arg8[%swap3A] {strides = array<i32>} : memref<10240xf32, #tpu.memory_space<vmem>>, vector<16xf32>,
      tpu.vector_store %arg8[%swap3A], %convert_element_type3A_75 {strides = array<i32>} : memref<10240xf32, #tpu.memory_space<vmem>>, vector<16xf32>,
    }
    %while3A_63 = arith.constant 1 : i32
    scf.for %while3A_66 = %while3A_61 to %while3A_57 step %while3A_63  : i32 {
      %mul3A_67 = arith.constant 16 : i32
      %mul3A_68 = arith.muli %while3A_66, %mul3A_67 : i32
      %add3A_69 = vector.broadcast %mul3A_68 : i32 to vector<16xi32>
      %add3A_70 = arith.addi %add3A_69, %iota3A : vector<16xi32>
      %shift_right_logical3A = arith.constant 5 : i32
      %shift_right_logical3A_71 = vector.broadcast %shift_right_logical3A : i32 to vector<16xi32>
      %shift_right_logical3A_72 = arith.shrui %add3A_70, %shift_right_logical3A_71 : vector<16xi32>
      %gather3A = tpu.vector_load_idx %arg9[%shift_right_logical3A_72] : memref<320xi32, #tpu.memory_space<vmem>>[vector<16xi32>], vector<16xi32>,
      %and3A = arith.constant 31 : i32
      %and3A_73 = vector.broadcast %and3A : i32 to vector<16xi32>
      %and3A_74 = arith.andi %add3A_70, %and3A_73 : vector<16xi32>
      %lt3A = arith.cmpi slt, %and3A_74, %gather3A : vector<16xi32>
      %convert_element_type3A = arith.extui %lt3A : vector<16xi1> to vector<16xi32>
      %convert_element_type3A_75 = arith.sitofp %convert_element_type3A : vector<16xi32> to vector<16xf32>
      %swap3A = arith.index_cast %mul3A_68 : i32 to index
      %swap3A_76 = tpu.vector_load %arg8[%swap3A] {strides = array<i32>} : memref<10240xf32, #tpu.memory_space<vmem>>, vector<16xf32>,
      tpu.vector_store %arg8[%swap3A], %convert_element_type3A_75 {strides = array<i32>} : memref<10240xf32, #tpu.memory_space<vmem>>, vector<16xf32>,
    }
    %mul3A_64 = arith.constant 10240 : i32
    %mul3A_65 = arith.muli %add3A, %mul3A_64 : i32
    "tpu.region"() ({
      %run_scoped3A = tpu.sem_alloc : memref<!tpu.dma_semaphore, #tpu.memory_space<semaphore_mem>>
      %dma_start3A_66 = tpu.memref_slice %arg3[%mul3A_65] : memref<327680xi32, #tpu.memory_space<hbm>> -> memref<10240xi32, #tpu.memory_space<hbm>>
      %dma_start3A_67 = tpu.memref_slice %arg3[%mul3A_65] : memref<327680xi32, #tpu.memory_space<hbm>> -> memref<10240xi32, #tpu.memory_space<hbm>>
      tpu.enqueue_dma source(%arg7 : memref<10240xi32, #tpu.memory_space<vmem>>) target(%dma_start3A_67 : memref<10240xi32, #tpu.memory_space<hbm>>) target_semaphore(%run_scoped3A : memref<!tpu.dma_semaphore, #tpu.memory_space<semaphore_mem>>)
      %dma_wait3A = tpu.memref_slice %arg3[%mul3A_65] : memref<327680xi32, #tpu.memory_space<hbm>> -> memref<10240xi32, #tpu.memory_space<hbm>>
      %dma_wait3A_68 = tpu.memref_slice %arg3[%mul3A_65] : memref<327680xi32, #tpu.memory_space<hbm>> -> memref<10240xi32, #tpu.memory_space<hbm>>
      tpu.wait_dma2 semaphore(%run_scoped3A : memref<!tpu.dma_semaphore, #tpu.memory_space<semaphore_mem>>) src(%arg7 : memref<10240xi32, #tpu.memory_space<vmem>>) dst(%dma_wait3A_68 : memref<10240xi32, #tpu.memory_space<hbm>>)
      tpu.yield
    }) : () -> ()
    "tpu.region"() ({
      %run_scoped3A = tpu.sem_alloc : memref<!tpu.dma_semaphore, #tpu.memory_space<semaphore_mem>>
      %dma_start3A_66 = tpu.memref_slice %arg4[%mul3A_65] : memref<327680xf32, #tpu.memory_space<hbm>> -> memref<10240xf32, #tpu.memory_space<hbm>>
      %dma_start3A_67 = tpu.memref_slice %arg4[%mul3A_65] : memref<327680xf32, #tpu.memory_space<hbm>> -> memref<10240xf32, #tpu.memory_space<hbm>>
      tpu.enqueue_dma source(%arg8 : memref<10240xf32, #tpu.memory_space<vmem>>) target(%dma_start3A_67 : memref<10240xf32, #tpu.memory_space<hbm>>) target_semaphore(%run_scoped3A : memref<!tpu.dma_semaphore, #tpu.memory_space<semaphore_mem>>)
      %dma_wait3A = tpu.memref_slice %arg4[%mul3A_65] : memref<327680xf32, #tpu.memory_space<hbm>> -> memref<10240xf32, #tpu.memory_space<hbm>>
      %dma_wait3A_68 = tpu.memref_slice %arg4[%mul3A_65] : memref<327680xf32, #tpu.memory_space<hbm>> -> memref<10240xf32, #tpu.memory_space<hbm>>
      tpu.wait_dma2 semaphore(%run_scoped3A : memref<!tpu.dma_semaphore, #tpu.memory_space<semaphore_mem>>) src(%arg8 : memref<10240xf32, #tpu.memory_space<vmem>>) dst(%dma_wait3A_68 : memref<10240xf32, #tpu.memory_space<hbm>>)
      tpu.yield
    }) : () -> ()
    return
  }
}

module attributes {stable_mosaic.version = 14 : i64} {
  func.func @_matmul_body(%arg0: memref<10000x128xf32, #tpu.memory_space<vmem>>, %arg1: memref<128x128xf32, #tpu.memory_space<vmem>>, %arg2: memref<10000x128xf32, #tpu.memory_space<vmem>>) attributes {dimension_semantics = [], scalar_prefetch = 0 : i64, scratch_operands = 0 : i64, tpu.core_type = #tpu.core_type<tc>} {
    %get3A = arith.constant 0 : index
    %get3A_0 = arith.constant 0 : index
    %get3A_1 = vector.load %arg0[%get3A, %get3A_0] : memref<10000x128xf32, #tpu.memory_space<vmem>>, vector<10000x128xf32>
    %get3A_2 = arith.constant 0 : index
    %get3A_3 = arith.constant 0 : index
    %get3A_4 = vector.load %arg1[%get3A_2, %get3A_3] : memref<128x128xf32, #tpu.memory_space<vmem>>, vector<128x128xf32>
    %dot_general3A = arith.constant dense<0.000000e+00> : vector<10000x128xf32>
    %dot_general3A_5 = tpu.matmul %get3A_1, %get3A_4, %dot_general3A {dimension_numbers = #tpu.dot_dimension_numbers<[1], [0], [0], [1], [0, 0, 1, 1], [], []>, transpose_lhs_hint = false} : vector<10000x128xf32>, vector<128x128xf32>, vector<10000x128xf32> -> vector<10000x128xf32>
    %swap3A = arith.constant 0 : index
    %swap3A_6 = arith.constant 0 : index
    %swap3A_7 = vector.load %arg2[%swap3A, %swap3A_6] : memref<10000x128xf32, #tpu.memory_space<vmem>>, vector<10000x128xf32>
    tpu.vector_store %arg2[%swap3A, %swap3A_6], %dot_general3A_5 {strides = array<i32>} : memref<10000x128xf32, #tpu.memory_space<vmem>>, vector<10000x128xf32>,
    return
  }
}

module attributes {stable_mosaic.version = 14 : i64} {
  func.func @_softkconv_body(%arg0: i32, %arg1: memref<512x128xf32, #tpu.memory_space<vmem>>, %arg2: memref<512x1xf32, #tpu.memory_space<vmem>>, %arg3: memref<1x1x512xf32, #tpu.memory_space<vmem>>, %arg4: memref<1x128xf32, #tpu.memory_space<vmem>>, %arg5: memref<16x128xf32, #tpu.memory_space<vmem>>) attributes {dimension_semantics = [#tpu.dimension_semantics<arbitrary>], iteration_bounds = array<i64: 625>, scalar_prefetch = 0 : i64, scratch_operands = 0 : i64, tpu.core_type = #tpu.core_type<tc>, window_params = [{transform_indices = @transform_0, window_bounds = array<i64: 512, 128>}, {transform_indices = @transform_1, window_bounds = array<i64: 512, 1>}, {transform_indices = @transform_2, window_bounds = array<i64: 1, 1, 512>}, {pipeline_mode = #tpu.pipeline_mode<synchronous>, transform_indices = @transform_3, window_bounds = array<i64: 1, 128>}, {transform_indices = @transform_4, window_bounds = array<i64: 16, 128>}]} {
    %get3A = arith.constant 0 : index
    %get3A_0 = arith.constant 0 : index
    %get3A_1 = vector.load %arg4[%get3A, %get3A_0] : memref<1x128xf32, #tpu.memory_space<vmem>>, vector<1x128xf32>
    %get3A_2 = arith.constant 0 : index
    %get3A_3 = arith.constant 0 : index
    %get3A_4 = arith.constant 0 : index
    %get3A_5 = vector.load %arg3[%get3A_2, %get3A_3, %get3A_4] : memref<1x1x512xf32, #tpu.memory_space<vmem>>, vector<1x1x512xf32>
    %reshape3A = vector.shape_cast %get3A_5 : vector<1x1x512xf32> to vector<1x512xf32>
    %get3A_6 = arith.constant 0 : index
    %get3A_7 = arith.constant 0 : index
    %get3A_8 = vector.load %arg1[%get3A_6, %get3A_7] : memref<512x128xf32, #tpu.memory_space<vmem>>, vector<256x128xf32>
    %get3A_9 = arith.constant 0 : index
    %get3A_10 = arith.constant 0 : index
    %get3A_11 = vector.load %arg2[%get3A_9, %get3A_10] : memref<512x1xf32, #tpu.memory_space<vmem>>, vector<256x1xf32>
    %slice3A = vector.extract_strided_slice %reshape3A {offsets = [0, 0], sizes = [1, 256], strides = [1, 1]} : vector<1x512xf32> to vector<1x256xf32>
    %mul3A = arith.mulf %get3A_8, %get3A_8 : vector<256x128xf32>
    %reduce_sum3A = arith.constant dense<0.000000e+00> : vector<256xf32>
    %reduce_sum3A_12 = vector.multi_reduction <add>, %mul3A, %reduce_sum3A [1] : vector<256x128xf32> to vector<256xf32>
    %broadcast_in_dim3A = vector.shape_cast %reduce_sum3A_12 : vector<256xf32> to vector<256x1xf32>
    %broadcast_in_dim3A_13 = arith.constant 1.000000e+00 : f32
    %broadcast_in_dim3A_14 = vector.broadcast %broadcast_in_dim3A_13 : f32 to vector<1x128xf32>
    %dot_general3A = arith.constant dense<0.000000e+00> : vector<1x256xf32>
    %dot_general3A_15 = tpu.matmul %broadcast_in_dim3A_14, %mul3A, %dot_general3A {dimension_numbers = #tpu.dot_dimension_numbers<[1], [1], [0], [0], [0, 0, 1, 0], [], []>, transpose_lhs_hint = false} : vector<1x128xf32>, vector<256x128xf32>, vector<1x256xf32> -> vector<1x256xf32>
    %dot_general3A_16 = arith.constant dense<0.000000e+00> : vector<256x256xf32>
    %dot_general3A_17 = tpu.matmul %get3A_8, %get3A_8, %dot_general3A_16 {dimension_numbers = #tpu.dot_dimension_numbers<[1], [1], [0], [0], [0, 0, 1, 0], [], []>, transpose_lhs_hint = false} : vector<256x128xf32>, vector<256x128xf32>, vector<256x256xf32> -> vector<256x256xf32>
    %add3A = vector.broadcast %broadcast_in_dim3A : vector<256x1xf32> to vector<256x256xf32>
    %add3A_18 = vector.broadcast %dot_general3A_15 : vector<1x256xf32> to vector<256x256xf32>
    %add3A_19 = arith.addf %add3A, %add3A_18 : vector<256x256xf32>
    %mul3A_20 = arith.constant 2.000000e+00 : f32
    %mul3A_21 = vector.broadcast %mul3A_20 : f32 to vector<256x256xf32>
    %mul3A_22 = arith.mulf %mul3A_21, %dot_general3A_17 : vector<256x256xf32>
    %sub3A = arith.subf %add3A_19, %mul3A_22 : vector<256x256xf32>
    %iota3A = tpu.iota {dimensions = array<i32: 0>} : vector<256x256xi32>
    %iota3A_23 = tpu.iota {dimensions = array<i32: 1>} : vector<256x256xi32>
    %jit3A = arith.constant 32 : i64
    %convert_element_type3A = arith.trunci %jit3A : i64 to i32
    %div3A = vector.broadcast %convert_element_type3A : i32 to vector<256x256xi32>
    %div3A_24 = arith.divsi %iota3A, %div3A : vector<256x256xi32>
    %sign3A = arith.constant 0 : i32
    %sign3A_25 = vector.broadcast %sign3A : i32 to vector<256x256xi32>
    %sign3A_26 = arith.cmpi sgt, %iota3A, %sign3A_25 : vector<256x256xi32>
    %sign3A_27 = arith.extui %sign3A_26 : vector<256x256xi1> to vector<256x256xi32>
    %sign3A_28 = arith.constant 0 : i32
    %sign3A_29 = vector.broadcast %sign3A_28 : i32 to vector<256x256xi32>
    %sign3A_30 = arith.cmpi slt, %iota3A, %sign3A_29 : vector<256x256xi32>
    %sign3A_31 = arith.extui %sign3A_30 : vector<256x256xi1> to vector<256x256xi32>
    %sign3A_32 = arith.subi %sign3A_27, %sign3A_31 : vector<256x256xi32>
    %sign3A_33 = arith.constant 0 : i32
    %sign3A_34 = arith.cmpi sgt, %convert_element_type3A, %sign3A_33 : i32
    %sign3A_35 = arith.extui %sign3A_34 : i1 to i32
    %sign3A_36 = arith.constant 0 : i32
    %sign3A_37 = arith.cmpi slt, %convert_element_type3A, %sign3A_36 : i32
    %sign3A_38 = arith.extui %sign3A_37 : i1 to i32
    %sign3A_39 = arith.subi %sign3A_35, %sign3A_38 : i32
    %ne3A = vector.broadcast %sign3A_39 : i32 to vector<256x256xi32>
    %ne3A_40 = arith.cmpi ne, %sign3A_32, %ne3A : vector<256x256xi32>
    %rem3A = vector.broadcast %convert_element_type3A : i32 to vector<256x256xi32>
    %rem3A_41 = arith.remsi %iota3A, %rem3A : vector<256x256xi32>
    %ne3A_42 = arith.constant 0 : i32
    %ne3A_43 = vector.broadcast %ne3A_42 : i32 to vector<256x256xi32>
    %ne3A_44 = arith.cmpi ne, %rem3A_41, %ne3A_43 : vector<256x256xi32>
    %and3A = arith.andi %ne3A_40, %ne3A_44 : vector<256x256xi1>
    %sub3A_45 = arith.constant 1 : i32
    %sub3A_46 = vector.broadcast %sub3A_45 : i32 to vector<256x256xi32>
    %sub3A_47 = arith.subi %div3A_24, %sub3A_46 : vector<256x256xi32>
    %select_n3A = arith.select %and3A, %sub3A_47, %div3A_24 : vector<256x256xi1>, vector<256x256xi32>
    %jit3A_48 = arith.constant 32 : i64
    %convert_element_type3A_49 = arith.trunci %jit3A_48 : i64 to i32
    %div3A_50 = vector.broadcast %convert_element_type3A_49 : i32 to vector<256x256xi32>
    %div3A_51 = arith.divsi %iota3A_23, %div3A_50 : vector<256x256xi32>
    %sign3A_52 = arith.constant 0 : i32
    %sign3A_53 = vector.broadcast %sign3A_52 : i32 to vector<256x256xi32>
    %sign3A_54 = arith.cmpi sgt, %iota3A_23, %sign3A_53 : vector<256x256xi32>
    %sign3A_55 = arith.extui %sign3A_54 : vector<256x256xi1> to vector<256x256xi32>
    %sign3A_56 = arith.constant 0 : i32
    %sign3A_57 = vector.broadcast %sign3A_56 : i32 to vector<256x256xi32>
    %sign3A_58 = arith.cmpi slt, %iota3A_23, %sign3A_57 : vector<256x256xi32>
    %sign3A_59 = arith.extui %sign3A_58 : vector<256x256xi1> to vector<256x256xi32>
    %sign3A_60 = arith.subi %sign3A_55, %sign3A_59 : vector<256x256xi32>
    %sign3A_61 = arith.constant 0 : i32
    %sign3A_62 = arith.cmpi sgt, %convert_element_type3A_49, %sign3A_61 : i32
    %sign3A_63 = arith.extui %sign3A_62 : i1 to i32
    %sign3A_64 = arith.constant 0 : i32
    %sign3A_65 = arith.cmpi slt, %convert_element_type3A_49, %sign3A_64 : i32
    %sign3A_66 = arith.extui %sign3A_65 : i1 to i32
    %sign3A_67 = arith.subi %sign3A_63, %sign3A_66 : i32
    %ne3A_68 = vector.broadcast %sign3A_67 : i32 to vector<256x256xi32>
    %ne3A_69 = arith.cmpi ne, %sign3A_60, %ne3A_68 : vector<256x256xi32>
    %rem3A_70 = vector.broadcast %convert_element_type3A_49 : i32 to vector<256x256xi32>
    %rem3A_71 = arith.remsi %iota3A_23, %rem3A_70 : vector<256x256xi32>
    %ne3A_72 = arith.constant 0 : i32
    %ne3A_73 = vector.broadcast %ne3A_72 : i32 to vector<256x256xi32>
    %ne3A_74 = arith.cmpi ne, %rem3A_71, %ne3A_73 : vector<256x256xi32>
    %and3A_75 = arith.andi %ne3A_69, %ne3A_74 : vector<256x256xi1>
    %sub3A_76 = arith.constant 1 : i32
    %sub3A_77 = vector.broadcast %sub3A_76 : i32 to vector<256x256xi32>
    %sub3A_78 = arith.subi %div3A_51, %sub3A_77 : vector<256x256xi32>
    %select_n3A_79 = arith.select %and3A_75, %sub3A_78, %div3A_51 : vector<256x256xi1>, vector<256x256xi32>
    %eq3A = arith.cmpi eq, %select_n3A, %select_n3A_79 : vector<256x256xi32>
    %convert_element_type3A_80 = arith.extui %eq3A : vector<256x256xi1> to vector<256x256xi32>
    %convert_element_type3A_81 = arith.sitofp %convert_element_type3A_80 : vector<256x256xi32> to vector<256x256xf32>
    %eq3A_82 = arith.cmpi eq, %iota3A, %iota3A_23 : vector<256x256xi32>
    %convert_element_type3A_83 = arith.extui %eq3A_82 : vector<256x256xi1> to vector<256x256xi32>
    %convert_element_type3A_84 = arith.sitofp %convert_element_type3A_83 : vector<256x256xi32> to vector<256x256xf32>
    %sub3A_85 = arith.constant 1.000000e+00 : f32
    %sub3A_86 = vector.broadcast %sub3A_85 : f32 to vector<256x256xf32>
    %sub3A_87 = arith.subf %sub3A_86, %convert_element_type3A_84 : vector<256x256xf32>
    %mul3A_88 = arith.mulf %convert_element_type3A_81, %sub3A_87 : vector<256x256xf32>
    %max3A = arith.constant 0.000000e+00 : f32
    %max3A_89 = vector.broadcast %max3A : f32 to vector<256x256xf32>
    %max3A_90 = arith.maximumf %sub3A, %max3A_89 : vector<256x256xf32>
    %sqrt3A = math.sqrt %max3A_90 : vector<256x256xf32>
    %mul3A_91 = vector.broadcast %get3A_11 : vector<256x1xf32> to vector<256x256xf32>
    %mul3A_92 = arith.mulf %mul3A_88, %mul3A_91 : vector<256x256xf32>
    %mul3A_93 = vector.broadcast %slice3A : vector<1x256xf32> to vector<256x256xf32>
    %mul3A_94 = arith.mulf %mul3A_92, %mul3A_93 : vector<256x256xf32>
    %mul3A_95 = arith.mulf %sqrt3A, %mul3A_94 : vector<256x256xf32>
    %reduce_sum3A_96 = arith.constant dense<0.000000e+00> : vector<256xf32>
    %reduce_sum3A_97 = vector.multi_reduction <add>, %mul3A_95, %reduce_sum3A_96 [1] : vector<256x256xf32> to vector<256xf32>
    %broadcast_in_dim3A_98 = vector.shape_cast %reduce_sum3A_97 : vector<256xf32> to vector<256x1xf32>
    %mul3A_99 = vector.broadcast %slice3A : vector<1x256xf32> to vector<256x256xf32>
    %mul3A_100 = arith.mulf %convert_element_type3A_81, %mul3A_99 : vector<256x256xf32>
    %reduce_sum3A_101 = arith.constant dense<0.000000e+00> : vector<256xf32>
    %reduce_sum3A_102 = vector.multi_reduction <add>, %mul3A_100, %reduce_sum3A_101 [1] : vector<256x256xf32> to vector<256xf32>
    %broadcast_in_dim3A_103 = vector.shape_cast %reduce_sum3A_102 : vector<256xf32> to vector<256x1xf32>
    %dot_general3A_104 = arith.constant dense<0.000000e+00> : vector<256x1xf32>
    %dot_general3A_105 = tpu.matmul %mul3A_100, %broadcast_in_dim3A_98, %dot_general3A_104 {dimension_numbers = #tpu.dot_dimension_numbers<[1], [0], [0], [1], [0, 0, 1, 1], [], []>, transpose_lhs_hint = false} : vector<256x256xf32>, vector<256x1xf32>, vector<256x1xf32> -> vector<256x1xf32>
    %div3A_106 = arith.divf %dot_general3A_105, %broadcast_in_dim3A_103 : vector<256x1xf32>
    %gt3A = arith.constant 0.000000e+00 : f32
    %gt3A_107 = vector.broadcast %gt3A : f32 to vector<256x1xf32>
    %gt3A_108 = arith.cmpf ogt, %get3A_11, %gt3A_107 : vector<256x1xf32>
    %sub3A_109 = arith.subf %div3A_106, %broadcast_in_dim3A_98 : vector<256x1xf32>
    %jit3A_110 = arith.constant 0.000000e+00 : f64
    %convert_element_type3A_111 = arith.truncf %jit3A_110 : f64 to f32
    %broadcast_in_dim3A_112 = vector.broadcast %convert_element_type3A_111 : f32 to vector<256x1xf32>
    %select_n3A_113 = arith.select %gt3A_108, %sub3A_109, %broadcast_in_dim3A_112 : vector<256x1xi1>, vector<256x1xf32>
    %gt3A_114 = arith.constant 0.000000e+00 : f32
    %gt3A_115 = vector.broadcast %gt3A_114 : f32 to vector<256x1xf32>
    %gt3A_116 = arith.cmpf ogt, %get3A_11, %gt3A_115 : vector<256x1xf32>
    %exp3A = math.exp %select_n3A_113 : vector<256x1xf32>
    %jit3A_117 = arith.constant 0.000000e+00 : f64
    %convert_element_type3A_118 = arith.truncf %jit3A_117 : f64 to f32
    %broadcast_in_dim3A_119 = vector.broadcast %convert_element_type3A_118 : f32 to vector<256x1xf32>
    %select_n3A_120 = arith.select %gt3A_116, %exp3A, %broadcast_in_dim3A_119 : vector<256x1xi1>, vector<256x1xf32>
    %dot_general3A_121 = arith.constant dense<0.000000e+00> : vector<256x1xf32>
    %dot_general3A_122 = tpu.matmul %convert_element_type3A_81, %select_n3A_120, %dot_general3A_121 {dimension_numbers = #tpu.dot_dimension_numbers<[1], [0], [0], [1], [0, 0, 1, 1], [], []>, transpose_lhs_hint = false} : vector<256x256xf32>, vector<256x1xf32>, vector<256x1xf32> -> vector<256x1xf32>
    %div3A_123 = arith.divf %select_n3A_120, %dot_general3A_122 : vector<256x1xf32>
    %iota3A_124 = tpu.iota {dimensions = array<i32: 0>} : vector<8x256xi32>
    %iota3A_125 = tpu.iota {dimensions = array<i32: 1>} : vector<8x256xi32>
    %jit3A_126 = arith.constant 32 : i64
    %convert_element_type3A_127 = arith.trunci %jit3A_126 : i64 to i32
    %div3A_128 = vector.broadcast %convert_element_type3A_127 : i32 to vector<8x256xi32>
    %div3A_129 = arith.divsi %iota3A_125, %div3A_128 : vector<8x256xi32>
    %sign3A_130 = arith.constant 0 : i32
    %sign3A_131 = vector.broadcast %sign3A_130 : i32 to vector<8x256xi32>
    %sign3A_132 = arith.cmpi sgt, %iota3A_125, %sign3A_131 : vector<8x256xi32>
    %sign3A_133 = arith.extui %sign3A_132 : vector<8x256xi1> to vector<8x256xi32>
    %sign3A_134 = arith.constant 0 : i32
    %sign3A_135 = vector.broadcast %sign3A_134 : i32 to vector<8x256xi32>
    %sign3A_136 = arith.cmpi slt, %iota3A_125, %sign3A_135 : vector<8x256xi32>
    %sign3A_137 = arith.extui %sign3A_136 : vector<8x256xi1> to vector<8x256xi32>
    %sign3A_138 = arith.subi %sign3A_133, %sign3A_137 : vector<8x256xi32>
    %sign3A_139 = arith.constant 0 : i32
    %sign3A_140 = arith.cmpi sgt, %convert_element_type3A_127, %sign3A_139 : i32
    %sign3A_141 = arith.extui %sign3A_140 : i1 to i32
    %sign3A_142 = arith.constant 0 : i32
    %sign3A_143 = arith.cmpi slt, %convert_element_type3A_127, %sign3A_142 : i32
    %sign3A_144 = arith.extui %sign3A_143 : i1 to i32
    %sign3A_145 = arith.subi %sign3A_141, %sign3A_144 : i32
    %ne3A_146 = vector.broadcast %sign3A_145 : i32 to vector<8x256xi32>
    %ne3A_147 = arith.cmpi ne, %sign3A_138, %ne3A_146 : vector<8x256xi32>
    %rem3A_148 = vector.broadcast %convert_element_type3A_127 : i32 to vector<8x256xi32>
    %rem3A_149 = arith.remsi %iota3A_125, %rem3A_148 : vector<8x256xi32>
    %ne3A_150 = arith.constant 0 : i32
    %ne3A_151 = vector.broadcast %ne3A_150 : i32 to vector<8x256xi32>
    %ne3A_152 = arith.cmpi ne, %rem3A_149, %ne3A_151 : vector<8x256xi32>
    %and3A_153 = arith.andi %ne3A_147, %ne3A_152 : vector<8x256xi1>
    %sub3A_154 = arith.constant 1 : i32
    %sub3A_155 = vector.broadcast %sub3A_154 : i32 to vector<8x256xi32>
    %sub3A_156 = arith.subi %div3A_129, %sub3A_155 : vector<8x256xi32>
    %select_n3A_157 = arith.select %and3A_153, %sub3A_156, %div3A_129 : vector<8x256xi1>, vector<8x256xi32>
    %eq3A_158 = arith.cmpi eq, %iota3A_124, %select_n3A_157 : vector<8x256xi32>
    %convert_element_type3A_159 = arith.extui %eq3A_158 : vector<8x256xi1> to vector<8x256xi32>
    %convert_element_type3A_160 = arith.sitofp %convert_element_type3A_159 : vector<8x256xi32> to vector<8x256xf32>
    %mul3A_161 = vector.broadcast %div3A_123 : vector<256x1xf32> to vector<256x128xf32>
    %mul3A_162 = arith.mulf %mul3A_161, %get3A_8 : vector<256x128xf32>
    %dot_general3A_163 = arith.constant dense<0.000000e+00> : vector<8x128xf32>
    %dot_general3A_164 = tpu.matmul %convert_element_type3A_160, %mul3A_162, %dot_general3A_163 {dimension_numbers = #tpu.dot_dimension_numbers<[1], [0], [0], [1], [0, 0, 1, 1], [], []>, transpose_lhs_hint = false} : vector<8x256xf32>, vector<256x128xf32>, vector<8x128xf32> -> vector<8x128xf32>
    %add3A_165 = vector.broadcast %get3A_1 : vector<1x128xf32> to vector<8x128xf32>
    %add3A_166 = arith.addf %dot_general3A_164, %add3A_165 : vector<8x128xf32>
    %swap3A = arith.constant 0 : index
    %swap3A_167 = arith.constant 0 : index
    %swap3A_168 = vector.load %arg5[%swap3A, %swap3A_167] : memref<16x128xf32, #tpu.memory_space<vmem>>, vector<8x128xf32>
    tpu.vector_store %arg5[%swap3A, %swap3A_167], %add3A_166 {strides = array<i32>} : memref<16x128xf32, #tpu.memory_space<vmem>>, vector<8x128xf32>,
    %get3A_169 = arith.constant 256 : index
    %get3A_170 = arith.constant 0 : index
    %get3A_171 = vector.load %arg1[%get3A_169, %get3A_170] : memref<512x128xf32, #tpu.memory_space<vmem>>, vector<256x128xf32>
    %get3A_172 = arith.constant 256 : index
    %get3A_173 = arith.constant 0 : index
    %get3A_174 = vector.load %arg2[%get3A_172, %get3A_173] : memref<512x1xf32, #tpu.memory_space<vmem>>, vector<256x1xf32>
    %slice3A_175 = vector.extract_strided_slice %reshape3A {offsets = [0, 256], sizes = [1, 256], strides = [1, 1]} : vector<1x512xf32> to vector<1x256xf32>
    %mul3A_176 = arith.mulf %get3A_171, %get3A_171 : vector<256x128xf32>
    %reduce_sum3A_177 = arith.constant dense<0.000000e+00> : vector<256xf32>
    %reduce_sum3A_178 = vector.multi_reduction <add>, %mul3A_176, %reduce_sum3A_177 [1] : vector<256x128xf32> to vector<256xf32>
    %broadcast_in_dim3A_179 = vector.shape_cast %reduce_sum3A_178 : vector<256xf32> to vector<256x1xf32>
    %broadcast_in_dim3A_180 = arith.constant 1.000000e+00 : f32
    %broadcast_in_dim3A_181 = vector.broadcast %broadcast_in_dim3A_180 : f32 to vector<1x128xf32>
    %dot_general3A_182 = arith.constant dense<0.000000e+00> : vector<1x256xf32>
    %dot_general3A_183 = tpu.matmul %broadcast_in_dim3A_181, %mul3A_176, %dot_general3A_182 {dimension_numbers = #tpu.dot_dimension_numbers<[1], [1], [0], [0], [0, 0, 1, 0], [], []>, transpose_lhs_hint = false} : vector<1x128xf32>, vector<256x128xf32>, vector<1x256xf32> -> vector<1x256xf32>
    %dot_general3A_184 = arith.constant dense<0.000000e+00> : vector<256x256xf32>
    %dot_general3A_185 = tpu.matmul %get3A_171, %get3A_171, %dot_general3A_184 {dimension_numbers = #tpu.dot_dimension_numbers<[1], [1], [0], [0], [0, 0, 1, 0], [], []>, transpose_lhs_hint = false} : vector<256x128xf32>, vector<256x128xf32>, vector<256x256xf32> -> vector<256x256xf32>
    %add3A_186 = vector.broadcast %broadcast_in_dim3A_179 : vector<256x1xf32> to vector<256x256xf32>
    %add3A_187 = vector.broadcast %dot_general3A_183 : vector<1x256xf32> to vector<256x256xf32>
    %add3A_188 = arith.addf %add3A_186, %add3A_187 : vector<256x256xf32>
    %mul3A_189 = arith.constant 2.000000e+00 : f32
    %mul3A_190 = vector.broadcast %mul3A_189 : f32 to vector<256x256xf32>
    %mul3A_191 = arith.mulf %mul3A_190, %dot_general3A_185 : vector<256x256xf32>
    %sub3A_192 = arith.subf %add3A_188, %mul3A_191 : vector<256x256xf32>
    %iota3A_193 = tpu.iota {dimensions = array<i32: 0>} : vector<256x256xi32>
    %iota3A_194 = tpu.iota {dimensions = array<i32: 1>} : vector<256x256xi32>
    %jit3A_195 = arith.constant 32 : i64
    %convert_element_type3A_196 = arith.trunci %jit3A_195 : i64 to i32
    %div3A_197 = vector.broadcast %convert_element_type3A_196 : i32 to vector<256x256xi32>
    %div3A_198 = arith.divsi %iota3A_193, %div3A_197 : vector<256x256xi32>
    %sign3A_199 = arith.constant 0 : i32
    %sign3A_200 = vector.broadcast %sign3A_199 : i32 to vector<256x256xi32>
    %sign3A_201 = arith.cmpi sgt, %iota3A_193, %sign3A_200 : vector<256x256xi32>
    %sign3A_202 = arith.extui %sign3A_201 : vector<256x256xi1> to vector<256x256xi32>
    %sign3A_203 = arith.constant 0 : i32
    %sign3A_204 = vector.broadcast %sign3A_203 : i32 to vector<256x256xi32>
    %sign3A_205 = arith.cmpi slt, %iota3A_193, %sign3A_204 : vector<256x256xi32>
    %sign3A_206 = arith.extui %sign3A_205 : vector<256x256xi1> to vector<256x256xi32>
    %sign3A_207 = arith.subi %sign3A_202, %sign3A_206 : vector<256x256xi32>
    %sign3A_208 = arith.constant 0 : i32
    %sign3A_209 = arith.cmpi sgt, %convert_element_type3A_196, %sign3A_208 : i32
    %sign3A_210 = arith.extui %sign3A_209 : i1 to i32
    %sign3A_211 = arith.constant 0 : i32
    %sign3A_212 = arith.cmpi slt, %convert_element_type3A_196, %sign3A_211 : i32
    %sign3A_213 = arith.extui %sign3A_212 : i1 to i32
    %sign3A_214 = arith.subi %sign3A_210, %sign3A_213 : i32
    %ne3A_215 = vector.broadcast %sign3A_214 : i32 to vector<256x256xi32>
    %ne3A_216 = arith.cmpi ne, %sign3A_207, %ne3A_215 : vector<256x256xi32>
    %rem3A_217 = vector.broadcast %convert_element_type3A_196 : i32 to vector<256x256xi32>
    %rem3A_218 = arith.remsi %iota3A_193, %rem3A_217 : vector<256x256xi32>
    %ne3A_219 = arith.constant 0 : i32
    %ne3A_220 = vector.broadcast %ne3A_219 : i32 to vector<256x256xi32>
    %ne3A_221 = arith.cmpi ne, %rem3A_218, %ne3A_220 : vector<256x256xi32>
    %and3A_222 = arith.andi %ne3A_216, %ne3A_221 : vector<256x256xi1>
    %sub3A_223 = arith.constant 1 : i32
    %sub3A_224 = vector.broadcast %sub3A_223 : i32 to vector<256x256xi32>
    %sub3A_225 = arith.subi %div3A_198, %sub3A_224 : vector<256x256xi32>
    %select_n3A_226 = arith.select %and3A_222, %sub3A_225, %div3A_198 : vector<256x256xi1>, vector<256x256xi32>
    %jit3A_227 = arith.constant 32 : i64
    %convert_element_type3A_228 = arith.trunci %jit3A_227 : i64 to i32
    %div3A_229 = vector.broadcast %convert_element_type3A_228 : i32 to vector<256x256xi32>
    %div3A_230 = arith.divsi %iota3A_194, %div3A_229 : vector<256x256xi32>
    %sign3A_231 = arith.constant 0 : i32
    %sign3A_232 = vector.broadcast %sign3A_231 : i32 to vector<256x256xi32>
    %sign3A_233 = arith.cmpi sgt, %iota3A_194, %sign3A_232 : vector<256x256xi32>
    %sign3A_234 = arith.extui %sign3A_233 : vector<256x256xi1> to vector<256x256xi32>
    %sign3A_235 = arith.constant 0 : i32
    %sign3A_236 = vector.broadcast %sign3A_235 : i32 to vector<256x256xi32>
    %sign3A_237 = arith.cmpi slt, %iota3A_194, %sign3A_236 : vector<256x256xi32>
    %sign3A_238 = arith.extui %sign3A_237 : vector<256x256xi1> to vector<256x256xi32>
    %sign3A_239 = arith.subi %sign3A_234, %sign3A_238 : vector<256x256xi32>
    %sign3A_240 = arith.constant 0 : i32
    %sign3A_241 = arith.cmpi sgt, %convert_element_type3A_228, %sign3A_240 : i32
    %sign3A_242 = arith.extui %sign3A_241 : i1 to i32
    %sign3A_243 = arith.constant 0 : i32
    %sign3A_244 = arith.cmpi slt, %convert_element_type3A_228, %sign3A_243 : i32
    %sign3A_245 = arith.extui %sign3A_244 : i1 to i32
    %sign3A_246 = arith.subi %sign3A_242, %sign3A_245 : i32
    %ne3A_247 = vector.broadcast %sign3A_246 : i32 to vector<256x256xi32>
    %ne3A_248 = arith.cmpi ne, %sign3A_239, %ne3A_247 : vector<256x256xi32>
    %rem3A_249 = vector.broadcast %convert_element_type3A_228 : i32 to vector<256x256xi32>
    %rem3A_250 = arith.remsi %iota3A_194, %rem3A_249 : vector<256x256xi32>
    %ne3A_251 = arith.constant 0 : i32
    %ne3A_252 = vector.broadcast %ne3A_251 : i32 to vector<256x256xi32>
    %ne3A_253 = arith.cmpi ne, %rem3A_250, %ne3A_252 : vector<256x256xi32>
    %and3A_254 = arith.andi %ne3A_248, %ne3A_253 : vector<256x256xi1>
    %sub3A_255 = arith.constant 1 : i32
    %sub3A_256 = vector.broadcast %sub3A_255 : i32 to vector<256x256xi32>
    %sub3A_257 = arith.subi %div3A_230, %sub3A_256 : vector<256x256xi32>
    %select_n3A_258 = arith.select %and3A_254, %sub3A_257, %div3A_230 : vector<256x256xi1>, vector<256x256xi32>
    %eq3A_259 = arith.cmpi eq, %select_n3A_226, %select_n3A_258 : vector<256x256xi32>
    %convert_element_type3A_260 = arith.extui %eq3A_259 : vector<256x256xi1> to vector<256x256xi32>
    %convert_element_type3A_261 = arith.sitofp %convert_element_type3A_260 : vector<256x256xi32> to vector<256x256xf32>
    %eq3A_262 = arith.cmpi eq, %iota3A_193, %iota3A_194 : vector<256x256xi32>
    %convert_element_type3A_263 = arith.extui %eq3A_262 : vector<256x256xi1> to vector<256x256xi32>
    %convert_element_type3A_264 = arith.sitofp %convert_element_type3A_263 : vector<256x256xi32> to vector<256x256xf32>
    %sub3A_265 = arith.constant 1.000000e+00 : f32
    %sub3A_266 = vector.broadcast %sub3A_265 : f32 to vector<256x256xf32>
    %sub3A_267 = arith.subf %sub3A_266, %convert_element_type3A_264 : vector<256x256xf32>
    %mul3A_268 = arith.mulf %convert_element_type3A_261, %sub3A_267 : vector<256x256xf32>
    %max3A_269 = arith.constant 0.000000e+00 : f32
    %max3A_270 = vector.broadcast %max3A_269 : f32 to vector<256x256xf32>
    %max3A_271 = arith.maximumf %sub3A_192, %max3A_270 : vector<256x256xf32>
    %sqrt3A_272 = math.sqrt %max3A_271 : vector<256x256xf32>
    %mul3A_273 = vector.broadcast %get3A_174 : vector<256x1xf32> to vector<256x256xf32>
    %mul3A_274 = arith.mulf %mul3A_268, %mul3A_273 : vector<256x256xf32>
    %mul3A_275 = vector.broadcast %slice3A_175 : vector<1x256xf32> to vector<256x256xf32>
    %mul3A_276 = arith.mulf %mul3A_274, %mul3A_275 : vector<256x256xf32>
    %mul3A_277 = arith.mulf %sqrt3A_272, %mul3A_276 : vector<256x256xf32>
    %reduce_sum3A_278 = arith.constant dense<0.000000e+00> : vector<256xf32>
    %reduce_sum3A_279 = vector.multi_reduction <add>, %mul3A_277, %reduce_sum3A_278 [1] : vector<256x256xf32> to vector<256xf32>
    %broadcast_in_dim3A_280 = vector.shape_cast %reduce_sum3A_279 : vector<256xf32> to vector<256x1xf32>
    %mul3A_281 = vector.broadcast %slice3A_175 : vector<1x256xf32> to vector<256x256xf32>
    %mul3A_282 = arith.mulf %convert_element_type3A_261, %mul3A_281 : vector<256x256xf32>
    %reduce_sum3A_283 = arith.constant dense<0.000000e+00> : vector<256xf32>
    %reduce_sum3A_284 = vector.multi_reduction <add>, %mul3A_282, %reduce_sum3A_283 [1] : vector<256x256xf32> to vector<256xf32>
    %broadcast_in_dim3A_285 = vector.shape_cast %reduce_sum3A_284 : vector<256xf32> to vector<256x1xf32>
    %dot_general3A_286 = arith.constant dense<0.000000e+00> : vector<256x1xf32>
    %dot_general3A_287 = tpu.matmul %mul3A_282, %broadcast_in_dim3A_280, %dot_general3A_286 {dimension_numbers = #tpu.dot_dimension_numbers<[1], [0], [0], [1], [0, 0, 1, 1], [], []>, transpose_lhs_hint = false} : vector<256x256xf32>, vector<256x1xf32>, vector<256x1xf32> -> vector<256x1xf32>
    %div3A_288 = arith.divf %dot_general3A_287, %broadcast_in_dim3A_285 : vector<256x1xf32>
    %gt3A_289 = arith.constant 0.000000e+00 : f32
    %gt3A_290 = vector.broadcast %gt3A_289 : f32 to vector<256x1xf32>
    %gt3A_291 = arith.cmpf ogt, %get3A_174, %gt3A_290 : vector<256x1xf32>
    %sub3A_292 = arith.subf %div3A_288, %broadcast_in_dim3A_280 : vector<256x1xf32>
    %jit3A_293 = arith.constant 0.000000e+00 : f64
    %convert_element_type3A_294 = arith.truncf %jit3A_293 : f64 to f32
    %broadcast_in_dim3A_295 = vector.broadcast %convert_element_type3A_294 : f32 to vector<256x1xf32>
    %select_n3A_296 = arith.select %gt3A_291, %sub3A_292, %broadcast_in_dim3A_295 : vector<256x1xi1>, vector<256x1xf32>
    %gt3A_297 = arith.constant 0.000000e+00 : f32
    %gt3A_298 = vector.broadcast %gt3A_297 : f32 to vector<256x1xf32>
    %gt3A_299 = arith.cmpf ogt, %get3A_174, %gt3A_298 : vector<256x1xf32>
    %exp3A_300 = math.exp %select_n3A_296 : vector<256x1xf32>
    %jit3A_301 = arith.constant 0.000000e+00 : f64
    %convert_element_type3A_302 = arith.truncf %jit3A_301 : f64 to f32
    %broadcast_in_dim3A_303 = vector.broadcast %convert_element_type3A_302 : f32 to vector<256x1xf32>
    %select_n3A_304 = arith.select %gt3A_299, %exp3A_300, %broadcast_in_dim3A_303 : vector<256x1xi1>, vector<256x1xf32>
    %dot_general3A_305 = arith.constant dense<0.000000e+00> : vector<256x1xf32>
    %dot_general3A_306 = tpu.matmul %convert_element_type3A_261, %select_n3A_304, %dot_general3A_305 {dimension_numbers = #tpu.dot_dimension_numbers<[1], [0], [0], [1], [0, 0, 1, 1], [], []>, transpose_lhs_hint = false} : vector<256x256xf32>, vector<256x1xf32>, vector<256x1xf32> -> vector<256x1xf32>
    %div3A_307 = arith.divf %select_n3A_304, %dot_general3A_306 : vector<256x1xf32>
    %iota3A_308 = tpu.iota {dimensions = array<i32: 0>} : vector<8x256xi32>
    %iota3A_309 = tpu.iota {dimensions = array<i32: 1>} : vector<8x256xi32>
    %jit3A_310 = arith.constant 32 : i64
    %convert_element_type3A_311 = arith.trunci %jit3A_310 : i64 to i32
    %div3A_312 = vector.broadcast %convert_element_type3A_311 : i32 to vector<8x256xi32>
    %div3A_313 = arith.divsi %iota3A_309, %div3A_312 : vector<8x256xi32>
    %sign3A_314 = arith.constant 0 : i32
    %sign3A_315 = vector.broadcast %sign3A_314 : i32 to vector<8x256xi32>
    %sign3A_316 = arith.cmpi sgt, %iota3A_309, %sign3A_315 : vector<8x256xi32>
    %sign3A_317 = arith.extui %sign3A_316 : vector<8x256xi1> to vector<8x256xi32>
    %sign3A_318 = arith.constant 0 : i32
    %sign3A_319 = vector.broadcast %sign3A_318 : i32 to vector<8x256xi32>
    %sign3A_320 = arith.cmpi slt, %iota3A_309, %sign3A_319 : vector<8x256xi32>
    %sign3A_321 = arith.extui %sign3A_320 : vector<8x256xi1> to vector<8x256xi32>
    %sign3A_322 = arith.subi %sign3A_317, %sign3A_321 : vector<8x256xi32>
    %sign3A_323 = arith.constant 0 : i32
    %sign3A_324 = arith.cmpi sgt, %convert_element_type3A_311, %sign3A_323 : i32
    %sign3A_325 = arith.extui %sign3A_324 : i1 to i32
    %sign3A_326 = arith.constant 0 : i32
    %sign3A_327 = arith.cmpi slt, %convert_element_type3A_311, %sign3A_326 : i32
    %sign3A_328 = arith.extui %sign3A_327 : i1 to i32
    %sign3A_329 = arith.subi %sign3A_325, %sign3A_328 : i32
    %ne3A_330 = vector.broadcast %sign3A_329 : i32 to vector<8x256xi32>
    %ne3A_331 = arith.cmpi ne, %sign3A_322, %ne3A_330 : vector<8x256xi32>
    %rem3A_332 = vector.broadcast %convert_element_type3A_311 : i32 to vector<8x256xi32>
    %rem3A_333 = arith.remsi %iota3A_309, %rem3A_332 : vector<8x256xi32>
    %ne3A_334 = arith.constant 0 : i32
    %ne3A_335 = vector.broadcast %ne3A_334 : i32 to vector<8x256xi32>
    %ne3A_336 = arith.cmpi ne, %rem3A_333, %ne3A_335 : vector<8x256xi32>
    %and3A_337 = arith.andi %ne3A_331, %ne3A_336 : vector<8x256xi1>
    %sub3A_338 = arith.constant 1 : i32
    %sub3A_339 = vector.broadcast %sub3A_338 : i32 to vector<8x256xi32>
    %sub3A_340 = arith.subi %div3A_313, %sub3A_339 : vector<8x256xi32>
    %select_n3A_341 = arith.select %and3A_337, %sub3A_340, %div3A_313 : vector<8x256xi1>, vector<8x256xi32>
    %eq3A_342 = arith.cmpi eq, %iota3A_308, %select_n3A_341 : vector<8x256xi32>
    %convert_element_type3A_343 = arith.extui %eq3A_342 : vector<8x256xi1> to vector<8x256xi32>
    %convert_element_type3A_344 = arith.sitofp %convert_element_type3A_343 : vector<8x256xi32> to vector<8x256xf32>
    %mul3A_345 = vector.broadcast %div3A_307 : vector<256x1xf32> to vector<256x128xf32>
    %mul3A_346 = arith.mulf %mul3A_345, %get3A_171 : vector<256x128xf32>
    %dot_general3A_347 = arith.constant dense<0.000000e+00> : vector<8x128xf32>
    %dot_general3A_348 = tpu.matmul %convert_element_type3A_344, %mul3A_346, %dot_general3A_347 {dimension_numbers = #tpu.dot_dimension_numbers<[1], [0], [0], [1], [0, 0, 1, 1], [], []>, transpose_lhs_hint = false} : vector<8x256xf32>, vector<256x128xf32>, vector<8x128xf32> -> vector<8x128xf32>
    %add3A_349 = vector.broadcast %get3A_1 : vector<1x128xf32> to vector<8x128xf32>
    %add3A_350 = arith.addf %dot_general3A_348, %add3A_349 : vector<8x128xf32>
    %swap3A_351 = arith.constant 8 : index
    %swap3A_352 = arith.constant 0 : index
    %swap3A_353 = vector.load %arg5[%swap3A_351, %swap3A_352] : memref<16x128xf32, #tpu.memory_space<vmem>>, vector<8x128xf32>
    tpu.vector_store %arg5[%swap3A_351, %swap3A_352], %add3A_350 {strides = array<i32>} : memref<16x128xf32, #tpu.memory_space<vmem>>, vector<8x128xf32>,
    return
  }
  func.func @transform_0(%arg0: i32) -> (i32, i32) {
    %c0_i32 = arith.constant 0 : i32
    %c0_i32_0 = arith.constant 0 : i32
    return %arg0, %c0_i32 : i32, i32
  }
  func.func @transform_1(%arg0: i32) -> (i32, i32) {
    %c0_i32 = arith.constant 0 : i32
    %c0_i32_0 = arith.constant 0 : i32
    return %arg0, %c0_i32 : i32, i32
  }
  func.func @transform_2(%arg0: i32) -> (i32, i32, i32) {
    %c0_i32 = arith.constant 0 : i32
    %c0_i32_0 = arith.constant 0 : i32
    %c0_i32_1 = arith.constant 0 : i32
    return %arg0, %c0_i32, %c0_i32_0 : i32, i32, i32
  }
  func.func @transform_3(%arg0: i32) -> (i32, i32) {
    %c0_i32 = arith.constant 0 : i32
    %c0_i32_0 = arith.constant 0 : i32
    %c0_i32_1 = arith.constant 0 : i32
    return %c0_i32, %c0_i32_0 : i32, i32
  }
  func.func @transform_4(%arg0: i32) -> (i32, i32) {
    %c0_i32 = arith.constant 0 : i32
    %c0_i32_0 = arith.constant 0 : i32
    return %arg0, %c0_i32 : i32, i32
  }
}

</mosaic_0001>

<sc_bundles>
// kernel: kernel.6.cloned.1.call-start
scs
__scs_entry_jumppad:
0x0: {  	(pc) =	sbr.rel $0x88, $3  }
0x1: {  	(tag) =	ssettag $0x0;
	lr =	simm.s32 $0x1  }
0x2: {  	[smem:$0x3F9D] =	sst lr;
	_ =	strace $0xD0000000  }
0x3: {  	_ = 	snop  }
0x4: {  	_ = 	snop  }
0x5: {  	_ = 	snop  }
0x6: {  	_ = 	snop  }
0x7: {  	_ = 	snop  }
__scs_overlays_trampoline_lowered:
0x8: {  	[smem:$0x3FAC] =	sst s0  }
0x9: {  	[smem:$0x3FAD] =	sst s1  }
0xa: {  	[smem:$0x3FAE] =	sst s2  }
0xb: {  	[smem:$0x3FAF] =	sst s3  }
0xc: {  	[smem:$0x3FB0] =	sst s4  }
0xd: {  	[smem:$0x3FB1] =	sst s5  }
0xe: {  	[smem:$0x3FB2] =	sst s6  }
0xf: {  	[smem:$0x3FB3] =	sst s7  }
0x10: {  	[smem:$0x3FB4] =	sst s8  }
0x11: {  	[smem:$0x3FB5] =	sst s9;
	s0 =	simm.s32 @!p0 $0x0  }
0x12: {  	s1 =	sld [smem:$0x3F9B];
	s0 =	simm.s32 @p0 $0x1  }
0x13: {  	[smem:$0x3FB6] =	sst s0;
	s0 =	simm.s32 @!p1 $0x0  }
0x14: {  	s2 =	sld [smem:$0x3F9A];
	s0 =	simm.s32 @p1 $0x1  }
0x15: {  	[smem:$0x3FB7] =	sst s0;
	s0 =	simm.s32 @!p2 $0x0  }
0x16: {  	s3 =	sld [smem:$0x3FDB];
	s0 =	simm.s32 @p2 $0x1  }
0x17: {  	s4 =	simm.s32 $0x1BF5;
	[smem:$0x3FB9] =	sst s0  }
0x18: {  	s0 =	sld [smem:$0x3F9C];
	_ =	swait.ge [sflag:s4], $0x0  }
0x19: {  	s7 =	sld [smem:$0x3F9D]  }
0x1a: {  	s8 =	sadd.s32 $0xFFFFE003, lr  }
0x1b: {  	s9 =	sadd.s32 $0xFFFFFEF7, lr;
	s5 =	simm.s32 $0xFFFFFFFF;
	p2 =	slt.u32 s8, $0xFFFFF086  }
0x1c: {  	p1 =	slt.u32 s9, $0xF7A;
	s5 =	simm.s32 @!p2 $0x0  }
0x1d: {  	s5 =	simm.s32 @p1 $0x1;
	p0 =	seq.s32 s7, s2  }
0x1e: {  	s7 =	smul.u32 @!p0 $0xF7A, s2;
	p2 =	seq.s32 @!p0 s5, $0x0  }
0x1f: {  	s9 =	smul.u32 $0xF7A, s1;
	s8 =	simm.s32 @!p0 $0x1BF5;
	p2 =	por !p2, p0  }
0x20: {  	[sflag:s8] =	ssyncset.s32 @!p0 $0xFFFFF086;
	s6 =	sadd.s32 @!p0 s3, s7;
	s7 =	simm.s32 @!p0 $0x108  }
0x21: {  	s3 =	sadd.s32 s3, s9;
	s6 =	sadd.s32 @!p0 $0x88, s6;
	s7 =	simm.s32 @p2 $0x1082  }
0x22: {  	[simem:s7], [sflag:s8] =	dma.local @!p0 [hbm:s6], $0xF7A  }
0x23: {  	s9 =	sor.u32 $0xD0000000, s2;
	s6 =	simm.s32 $0x108;
	_ =	swait.ge @!p0 [sflag:s8], $0x0  }
0x24: {  	s3 =	sadd.s32 $0x88, s3;
	s6 =	simm.s32 @!p1 $0x1082;
	[sflag:s4] =	ssyncset.s32 $0xFFFFF086  }
0x25: {  	[simem:s6], [sflag:s4] =	dma.local [hbm:s3], $0xF7A  }
0x26: {  	[smem:$0x3F9D] =	sst s1;
	(tag) =	ssettag s2;
	_ =	strace s9  }
0x27: {  	s1 =	sld [smem:$0x3FAD]  }
0x28: {  	s2 =	sld [smem:$0x3FAE]  }
0x29: {  	s4 =	sld [smem:$0x3FB0]  }
0x2a: {  	p0 =	seq.s32 s5, $0x0;
	s5 =	sld [smem:$0x3FB1]  }
0x2b: {  	s6 =	sld [smem:$0x3FB2]  }
0x2c: {  	s7 =	sld [smem:$0x3FB3]  }
0x2d: {  	s3 =	simm.s32 $0x108;
	s8 =	sld [smem:$0x3FB4]  }
0x2e: {  	s3 =	simm.s32 @!p0 $0x1082;
	s9 =	sld [smem:$0x3FB5]  }
0x2f: {  	lr =	sadd.s32 s0, s3;
	s0 =	sld [smem:$0x3FAC]  }
0x30: {  	s3 =	sld [smem:$0x3FAF]  }
0x31: {  	[smem:$0x3FB8] =	sst s10  }
0x32: {  	s10 =	sld [smem:$0x3FB6];
	_ =	sdelay $0x3  }
0x33: {  	p0 =	seq.s32 s10, $0x1;
	s10 =	sld [smem:$0x3FB8];
	_ =	sdelay $0x3  }
0x34: {  	[smem:$0x3FB8] =	sst s10  }
0x35: {  	s10 =	sld [smem:$0x3FB7];
	_ =	sdelay $0x3  }
0x36: {  	p1 =	seq.s32 s10, $0x1;
	s10 =	sld [smem:$0x3FB8];
	_ =	sdelay $0x3  }
0x37: {  	[smem:$0x3FB8] =	sst s10  }
0x38: {  	s10 =	sld [smem:$0x3FB9]  }
0x39: {  	_ = 	snop;
	(pc) =	sbr.ind lr, $3  }
0x3a: {  	_ = 	snop  }
0x3b: {  	_ = 	snop  }
0x3c: {  	p2 =	seq.s32 s10, $0x1;
	s10 =	sld [smem:$0x3FB8]  }
0x3d: {  	_ =	shalt  }
0x3e: {  	_ =	shalt  }
0x3f: {  	_ =	shalt  }
0x40: {  	_ =	shalt  }
0x41: {  	_ =	shalt  }
0x42: {  	_ =	shalt  }
0x43: {  	_ =	shalt  }
0x44: {  	_ =	shalt  }
0x45: {  	_ =	shalt  }
0x46: {  	_ =	shalt  }
0x47: {  	_ =	shalt  }
0x48: {  	_ =	shalt  }
0x49: {  	_ =	shalt  }
0x4a: {  	_ =	shalt  }
0x4b: {  	_ =	shalt  }
0x4c: {  	_ =	shalt  }
0x4d: {  	_ =	shalt  }
0x4e: {  	_ =	shalt  }
0x4f: {  	_ =	shalt  }
0x50: {  	_ =	shalt  }
0x51: {  	_ =	shalt  }
0x52: {  	_ =	shalt  }
0x53: {  	_ =	shalt  }
0x54: {  	_ =	shalt  }
0x55: {  	_ =	shalt  }
0x56: {  	_ =	shalt  }
0x57: {  	_ =	shalt  }
0x58: {  	_ =	shalt  }
0x59: {  	_ =	shalt  }
0x5a: {  	_ =	shalt  }
0x5b: {  	_ =	shalt  }
0x5c: {  	_ =	shalt  }
0x5d: {  	_ =	shalt  }
0x5e: {  	_ =	shalt  }
0x5f: {  	_ =	shalt  }
0x60: {  	_ =	shalt  }
0x61: {  	_ =	shalt  }
0x62: {  	_ =	shalt  }
0x63: {  	_ =	shalt  }
0x64: {  	_ =	shalt  }
0x65: {  	_ =	shalt  }
0x66: {  	_ =	shalt  }
0x67: {  	_ =	shalt  }
0x68: {  	_ =	shalt  }
0x69: {  	_ =	shalt  }
0x6a: {  	_ =	shalt  }
0x6b: {  	_ =	shalt  }
0x6c: {  	_ =	shalt  }
0x6d: {  	_ =	shalt  }
0x6e: {  	_ =	shalt  }
0x6f: {  	_ =	shalt  }
0x70: {  	_ =	shalt  }
0x71: {  	_ =	shalt  }
0x72: {  	_ =	shalt  }
0x73: {  	_ =	shalt  }
0x74: {  	_ =	shalt  }
0x75: {  	_ =	shalt  }
0x76: {  	_ =	shalt  }
0x77: {  	_ =	shalt  }
0x78: {  	_ =	shalt  }
0x79: {  	_ =	shalt  }
0x7a: {  	_ =	shalt  }
0x7b: {  	_ =	shalt  }
0x7c: {  	_ =	shalt  }
0x7d: {  	_ =	shalt  }
0x7e: {  	_ =	shalt  }
0x7f: {  	_ =	shalt  }
0x80: {  	_ =	shalt  }
0x81: {  	_ =	shalt  }
0x82: {  	_ =	shalt  }
0x83: {  	_ =	shalt  }
0x84: {  	_ =	shalt  }
0x85: {  	_ =	shalt  }
0x86: {  	_ =	shalt  }
0x87: {  	_ =	shalt  }
.Lfunc_end0:
.L_simem_size_0:
called_computation_lowered:
.L_overlay_start_0:
0x88: {  	s2 =	sld [smem:$0x3FD9]  }
0x89: {  	s3 =	sld [smem:$0x3FFE];
	_ =	sdelay $0x1  }
0x8a: {  	s1 =	srdreg.scid  }
0x8b: {  	s0 =	sand.u32 $0x1, s1  }
0x8c: {  	s16 =	sshll.u32 s0, $0xA;
	s2 =	sadd.s32 s3, s2  }
0x8d: {  	s2 =	sadd.s32 s2, s16  }
0x8e: {  	[smem:$0x3FC4] =	sst s2  }
0x8f: {  	_ = 	snop  }
0x90: {  	(tm) =	ssettm $0x1  }
0x91: {  	s17 =	sld [smem:$0x3FFB];
	_ =	sdelay $0x3  }
0x92: {  	_ =	strace s17  }
0x93: {  	s2 =	sld [smem:$0x3FFC];
	_ =	sdelay $0x3  }
0x94: {  	_ =	strace s2  }
0x95: {  	s2 =	sld [smem:$0x3FFD];
	_ =	sdelay $0x3  }
0x96: {  	_ =	strace s2  }
0x97: {  	_ =	strace $0x8FFFFFFF  }
0x98: {  	s18 =	sld [smem:$0x3FDB];
	_ =	sdelay $0x1  }
0x99: {  	s19 =	simm.s32 $_scs_section_size  }
0x9a: {  	s4 =	simm.s32 $_size__tile_overlayer_lowered;
	s5 =	simm.s32 $_tile_overlayer_lowered  }
0x9b: {  	s22 =	simm.s32 $0x1BFF;
	s21 =	sshll.u32 s5, $0x1;
	s2 =	sadd.s32 s19, s18  }
0x9c: {  	s6 =	simm.s32 $0x0;
	s20 =	sshll.u32 s4, $0x1;
	s4 =	sadd.s32 s21, s2  }
0x9d: {  	[timem:s6], [sflag:s22] =	dma.local [hbm:s4], s20  }
0x9e: {  	_ =	swait.ge [sflag:s22], s20  }
0x9f: {  	s3 =	ssub.s32 $0x0, s20;
	[sflag:s22] =	ssyncset.done $0x0  }
0xa0: {  	[sflag:s22] =	ssyncadd.s32 s3;
	_ =	sdelay $0x1  }
0xa1: {  	s23 =	simm.s32 $0x1B8B  }
0xa2: {  	_ =	swait.ge [sflag:s23], $0x1  }
0xa3: {  	[sflag:s23] =	ssyncset.done $0x0  }
0xa4: {  	s25 =	simm.s32 $0x1B8E;
	s24 =	sld [smem:$0x3FFE];
	[sflag:s23] =	ssyncadd.s32 $0xFFFFFFFF  }
0xa5: {  	s26 =	simm.s32 $execute0_lowered;
	[smem:$0x3FD2] =	sst s25  }
0xa6: {  	s4 =	sshll.u32 s26, $0x1;
	_ =	strace $0x80000046;
	[dreg:$0x1] =	wrdreg $0xFFFFFFFF  }
0xa7: {  	s28 =	simm.s32 $_size_execute0_lowered;
	s2 =	sadd.s32 s2, s4;
	[dreg:$0x0] =	wrdreg $0x0  }
0xa8: {  	s4 =	sshll.u32 s28, $0x1;
	[dreg:$0x2] =	wrdreg s2  }
0xa9: {  	[dreg:$0x3] =	wrdreg s4  }
0xaa: {  	[dreg:$0x4] =	wrdreg $0xC0  }
0xab: {  	_ =	task [dreg:s6], $0x5FFFF  }
0xac: {  	[dreg:$0x1] =	wrdreg $0xFFFFFFFF  }
0xad: {  	[dreg:$0x0] =	wrdreg $0x60  }
0xae: {  	[dreg:$0x2] =	wrdreg s24  }
0xaf: {  	[dreg:$0x3] =	wrdreg $0x9  }
0xb0: {  	_ =	task.clear_ibuf [dreg:s6], $0x4FFFF;
	_ =	strace $0x90000046  }
0xb1: {  	s29 =	simm.s32 $0x9;
	_ =	strace $0x80000048  }
0xb2: {  	_ =	swait.ge [sflag:s29], $0x1  }
0xb3: {  	[sflag:s29] =	ssyncadd.s32 $0xFFFFFFFF  }
0xb4: {  	_ =	strace $0x90000048  }
0xb5: {  	_ =	sfence  }
0xb6: {  	s30 =	sld [smem:$0x0];
	_ =	sdelay $0x2  }
0xb7: {  	s31 =	sshll.u32 s1, $0xD;
	s1 =	sshrl.u32 s1, $0x2  }
0xb8: {  	s3 =	sand.u32 $0x4000, s31;
	s1 =	sadd.s32 s1, s30  }
0xb9: {  	s0 =	sor.u32 s3, s0;
	s1 =	sshll.u32 s1, $0x11  }
0xba: {  	s0 =	sor.u32 s1, s0  }
0xbb: {  	s0 =	sadd.s32 $0x8F2B, s0  }
0xbc: {  	[sflag:s0] =	ssyncadd.remote.s32 $0x1  }
0xbd: {  	_ =	sfence.sel $0xFFFF  }
0xbe: {  	[dreg:$0x0] =	wrdreg $0xFFFFFFFF;
	(pc) =	sbr.abs _section_cstart, $3  }
0xbf: {  	[dreg:$0x1] =	wrdreg $0xFFFFFFFF  }
0xc0: {  	_ =	task.clear_ibuf [dreg:s6], $0x2FFFF;
	_ =	strace $0x9FFFFFFF  }
0xc1: {  	(tm) =	ssettm $0x7FFFFFFF  }
tec
execute0_lowered:
.L_overlay_start_1:
0x0: {  	(tag) =	ssettag $0x1  }
0x1: {  	s1 =	srdreg.scid  }
0x2: {  	s0 =	stileid.u32;
	s6 =	rddreg [dreg:$0x0];
	s2 =	simm.s32 $0x0  }
0x3: {  	s11 =	simm.s32 $0x1;
	s12 =	simm.s32 $0x7000;
	s13 =	simm.s32 $0x2000  }
0x4: {  	s14 =	simm.s32 $0x2;
	s16 =	simm.s32 $0x4800;
	s17 =	simm.s32 $0x0  }
0x5: {  	s3 =	sand.u32 $0x1, s1;
	s4 =	sshll.u32 s0, $0x1;
	s1 =	rddreg [dreg:$0x1]  }
0x6: {  	[smem:$0x7FF] =	sst s2;
	s4 =	sor.u32 s3, s4;
	s7 =	ssub.s32 $0x2, s3  }
0x7: {  	_ =	strace $0x80000047;
	s3 =	sadd.s32 $0x1200, s6;
	s5 =	smul.u32 $0x500, s4  }
0x8: {  	s8 =	sshrl.u32 s7, $0x1;
	s15 =	smul.u32 $0x140, s4;
	s4 =	sadd.s32 $0x1400, s6  }
0x9: {  	s10 =	ssub.s32 s7, s8;
	s9 =	sadd.s32 s5, s6;
	s5 =	sadd.s32 $0x1600, s6  }
0xa: {  	s6 =	sadd.s32 $0x1800, s6;
	v0 =	vmov s15;
	s15 =	simm.s32 $0x3;
	s7 =	sadd.s32 $0x15200, s9  }
0xb: {  	v1 =	vimm.s32 $0x0;
	v2 =	vlaneseq.u32;
	s8 =	sadd.s32 $0xB200, s9;
	s9 =	smax.u32 s10, $0x1;
	s10 =	simm.s32 $0x1000  }
.LBB2_1:
0xc: {  	[tilespmem:$0x7000] =	vst v1  }
0xd: {  	[tilespmem:$0x7010] =	vst v1  }
0xe: {  	[tilespmem:$0x7020] =	vst v1  }
0xf: {  	[tilespmem:$0x7030] =	vst v1  }
0x10: {  	[tilespmem:$0x7040] =	vst v1  }
0x11: {  	[tilespmem:$0x7050] =	vst v1  }
0x12: {  	[tilespmem:$0x7060] =	vst v1  }
0x13: {  	[tilespmem:$0x7070] =	vst v1  }
0x14: {  	[tilespmem:$0x7080] =	vst v1  }
0x15: {  	[tilespmem:$0x7090] =	vst v1  }
0x16: {  	[tilespmem:$0x70A0] =	vst v1  }
0x17: {  	[tilespmem:$0x70B0] =	vst v1  }
0x18: {  	[tilespmem:$0x70C0] =	vst v1  }
0x19: {  	[tilespmem:$0x70D0] =	vst v1  }
0x1a: {  	[tilespmem:$0x70E0] =	vst v1  }
0x1b: {  	[tilespmem:$0x70F0] =	vst v1  }
0x1c: {  	[tilespmem:$0x7100] =	vst v1  }
0x1d: {  	[tilespmem:$0x7110] =	vst v1  }
0x1e: {  	[tilespmem:$0x7120] =	vst v1  }
0x1f: {  	[tilespmem:$0x7130] =	vst v1;
	s18 =	simm.s32 $0x40;
	s19 =	simm.s32 $0x0  }
.LBB2_2:
0x20: {  	p0 =	sne.s32 s18, $0x9FC0;
	[tilespmem:s19+$0x2000] =	vst v1;
	s19 =	smov.u32 s18;
	s18 =	sadd.s32 $0x40, s18  }
.Ltmp0:
0x21: {  	(pc) =	sbr.rel @p0 .LBB2_2-.Ltmp0, $2  }
0x22: {  	_ =	sdelay $0x2  }
0x23: {  	s19 =	sshra.s32 s19, $0x2  }
0x24: {  	[tilespmem:s19+$0x2000] =	vst v1;
	s18 =	simm.s32 $0x0  }
0x25: {  	[tilespmem:s18], [sflag:$0x1] =	stream.linear.gather [hbm4b:s3+s18], $0x1000, $0x38;
	[tilespmem:$0x7180] =	vst v63  }
0x26: {  	_ = 	snop  }
0x27: {  	[tilespmem:s10], [sflag:$0x2] =	stream.linear.gather [hbm4b:s4+s18], $0x1000, $0x38;
	[tilespmem:$0x7180] =	vst v63  }
.LBB2_4:
0x28: {  	_ =	swait.ge [sflag:s11], $0x1000  }
0x29: {  	[sflag:s11] =	ssyncset.done $0x0  }
0x2a: {  	s19 =	simm.s32 $0x0;
	[sflag:s11] =	ssyncadd.s32 $0xFFFFF000  }
0x2b: {  	v3 =	vld [tilespmem:s19+$0x0];
	s19 =	simm.s32 $0x40  }
.LBB2_5:
0x2c: {  	p0 =	sne.s32 s19, $0x3FC0;
	_ =	sdelay $0x3  }
0x2d: {  	v4 =	vshrl.u32 v3, $0xE  }
0x2e: {  	v5 =	vsub.s32 v4, v0  }
0x2f: {  	vm0 =	vlt.u32 v5, $0x140  }
0x30: {  	(xrf1) =	vunique.msk.u32 vm0, v4;
	_ =	sdelay $0x1  }
0x31: {  	vm1 =	vgt.s32 v5, $0x0  }
0x32: {  	v4 =	vnsel vm1, $0x0, v5  }
0x33: {  	v4 =	vmin.u32 v4, $0x13F;
	_ =	sdelay $0x4  }
0x34: {  	v5 =	vld.idx.msk [tilespmem:v4+s12+$0x0], vm0;
	_ =	sdelay $0x4  }
0x35: {  	_, v6, vm1 =	vpop (xrf1)  }
0x36: {  	v5 =	vadd.s32 v5, v6;
	vm1 =	vmand vm0, vm1  }
0x37: {  	v6 =	vadd.s32 $0xFFFFFFFF, v5  }
0x38: {  	vm2 =	vgt.s32 v6, $0x0  }
0x39: {  	vm3 =	vlt.s32 v6, $0x20;
	v6 =	vnsel vm2, $0x0, v6  }
0x3a: {  	v7 =	vshll.u32 v4, $0x5;
	vm0 =	vmand vm0, vm3;
	v6 =	vmin.u32 v6, $0x1F  }
0x3b: {  	v6 =	vor.u32 v7, v6;
	_ =	sdelay $0x2  }
.Ltmp1:
0x3c: {  	(pc) =	sbr.rel @p0 .LBB2_5-.Ltmp1, $4  }
0x3d: {  	v3 =	vand.u32 $0x3FFF, v3  }
0x3e: {  	[tilespmem:v6+s13+$0x0] =	vst.idx.msk vm0, v3  }
0x3f: {  	s20 =	sshra.s32 s19, $0x2;
	[tilespmem:v4+s12+$0x0] =	vst.idx.msk vm1, v5  }
0x40: {  	s19 =	sadd.s32 $0x40, s19;
	v3 =	vld [tilespmem:s20+$0x0]  }
0x41: {  	_ =	sdelay $0x3  }
0x42: {  	v4 =	vshrl.u32 v3, $0xE  }
0x43: {  	v5 =	vsub.s32 v4, v0  }
0x44: {  	vm0 =	vlt.u32 v5, $0x140  }
0x45: {  	(xrf1) =	vunique.msk.u32 vm0, v4;
	_ =	sdelay $0x2  }
0x46: {  	vm1 =	vgt.s32 v5, $0x0  }
0x47: {  	v4 =	vnsel vm1, $0x0, v5  }
0x48: {  	v4 =	vmin.u32 v4, $0x13F;
	_ =	sdelay $0x4  }
0x49: {  	v5 =	vld.idx.msk [tilespmem:v4+s12+$0x0], vm0;
	_ =	sdelay $0x3  }
0x4a: {  	_, v6, vm14 =	vpop (xrf1)  }
0x4b: {  	v5 =	vadd.s32 v5, v6  }
0x4c: {  	v6 =	vadd.s32 $0xFFFFFFFF, v5  }
0x4d: {  	vm2 =	vgt.s32 v6, $0x0  }
0x4e: {  	vm3 =	vlt.s32 v6, $0x20;
	v6 =	vnsel vm2, $0x0, v6  }
0x4f: {  	v7 =	vshll.u32 v4, $0x5;
	vm15 =	vmand vm0, vm3;
	v6 =	vmin.u32 v6, $0x1F  }
0x50: {  	vm0 =	vmand vm0, vm14;
	v6 =	vor.u32 v7, v6;
	_ =	sdelay $0x3  }
0x51: {  	p0 =	seq.s32 s18, $0x27;
	v3 =	vand.u32 $0x3FFF, v3  }
0x52: {  	s19 =	sshll.u32 @!p0 s18, $0xA;
	[tilespmem:v6+s13+$0x0] =	vst.idx.msk vm15, v3  }
0x53: {  	s20 =	simm.s32 @!p0 $0x0;
	s19 =	sadd.s32 @!p0 s19, s5;
	[tilespmem:v4+s12+$0x0] =	vst.idx.msk vm0, v5  }
0x54: {  	[tilespmem:s20], [sflag:$0x1] =	stream.linear.gather @!p0 [hbm4b:s19+s20], $0x1000, $0x38;
	[tilespmem:$0x7180] =	vst v63  }
0x55: {  	_ =	swait.ge [sflag:s14], $0x1000  }
0x56: {  	[sflag:s14] =	ssyncset.done $0x0  }
0x57: {  	s31 =	simm.s32 $0x0;
	[sflag:s14] =	ssyncadd.s32 $0xFFFFF000  }
0x58: {  	s19 =	simm.s32 $0x40;
	v3 =	vld [tilespmem:s31+$0x1000]  }
.LBB2_7:
0x59: {  	p1 =	sne.s32 s19, $0x3FC0;
	_ =	sdelay $0x3  }
0x5a: {  	v4 =	vshrl.u32 v3, $0xE  }
0x5b: {  	v5 =	vsub.s32 v4, v0  }
0x5c: {  	vm0 =	vlt.u32 v5, $0x140  }
0x5d: {  	(xrf1) =	vunique.msk.u32 vm0, v4;
	_ =	sdelay $0x1  }
0x5e: {  	vm1 =	vgt.s32 v5, $0x0  }
0x5f: {  	v4 =	vnsel vm1, $0x0, v5  }
0x60: {  	v4 =	vmin.u32 v4, $0x13F;
	_ =	sdelay $0x4  }
0x61: {  	v5 =	vld.idx.msk [tilespmem:v4+s12+$0x0], vm0;
	_ =	sdelay $0x4  }
0x62: {  	_, v6, vm1 =	vpop (xrf1)  }
0x63: {  	v5 =	vadd.s32 v5, v6;
	vm1 =	vmand vm0, vm1  }
0x64: {  	v6 =	vadd.s32 $0xFFFFFFFF, v5  }
0x65: {  	vm2 =	vgt.s32 v6, $0x0  }
0x66: {  	vm3 =	vlt.s32 v6, $0x20;
	v6 =	vnsel vm2, $0x0, v6  }
0x67: {  	v7 =	vshll.u32 v4, $0x5;
	vm0 =	vmand vm0, vm3;
	v6 =	vmin.u32 v6, $0x1F  }
0x68: {  	v6 =	vor.u32 v7, v6;
	_ =	sdelay $0x2  }
.Ltmp2:
0x69: {  	(pc) =	sbr.rel @p1 .LBB2_7-.Ltmp2, $4  }
0x6a: {  	v3 =	vand.u32 $0x3FFF, v3  }
0x6b: {  	[tilespmem:v6+s13+$0x0] =	vst.idx.msk vm0, v3  }
0x6c: {  	s20 =	sshra.s32 s19, $0x2;
	[tilespmem:v4+s12+$0x0] =	vst.idx.msk vm1, v5  }
0x6d: {  	s19 =	sadd.s32 $0x40, s19;
	v3 =	vld [tilespmem:s20+$0x1000]  }
0x6e: {  	_ =	sdelay $0x3  }
0x6f: {  	v4 =	vshrl.u32 v3, $0xE  }
0x70: {  	v5 =	vsub.s32 v4, v0  }
0x71: {  	vm0 =	vlt.u32 v5, $0x140  }
0x72: {  	(xrf1) =	vunique.msk.u32 vm0, v4;
	_ =	sdelay $0x2  }
0x73: {  	vm1 =	vgt.s32 v5, $0x0  }
0x74: {  	v62 =	vnsel vm1, $0x0, v5  }
0x75: {  	v4 =	vmin.u32 v62, $0x13F;
	_ =	sdelay $0x4  }
0x76: {  	v63 =	vld.idx.msk [tilespmem:v4+s12+$0x0], vm0;
	_ =	sdelay $0x3  }
0x77: {  	_, v6, vm14 =	vpop (xrf1)  }
0x78: {  	v5 =	vadd.s32 v63, v6  }
0x79: {  	v6 =	vadd.s32 $0xFFFFFFFF, v5  }
0x7a: {  	vm2 =	vgt.s32 v6, $0x0  }
0x7b: {  	vm3 =	vlt.s32 v6, $0x20;
	v6 =	vnsel vm2, $0x0, v6  }
0x7c: {  	v7 =	vshll.u32 v4, $0x5;
	vm15 =	vmand vm0, vm3;
	v6 =	vmin.u32 v6, $0x1F  }
0x7d: {  	vm0 =	vmand vm0, vm14;
	v6 =	vor.u32 v7, v6;
	_ =	sdelay $0x1  }
.Ltmp3:
0x7e: {  	_ = 	snop;
	(pc) =	sbr.rel @p0 .LBB2_9-.Ltmp3, $4  }
0x7f: {  	_ = 	snop  }
0x80: {  	v3 =	vand.u32 $0x3FFF, v3  }
0x81: {  	[tilespmem:v6+s13+$0x0] =	vst.idx.msk vm15, v3  }
0x82: {  	[tilespmem:v4+s12+$0x0] =	vst.idx.msk vm0, v5  }
.Ltmp4:
0x83: {  	(pc) =	sbr.rel .LBB2_4-.Ltmp4, $4  }
0x84: {  	_ = 	snop  }
0x85: {  	s19 =	sshll.u32 s18, $0xA  }
0x86: {  	s18 =	sadd.s32 $0x1, s18;
	s19 =	sadd.s32 s19, s6  }
0x87: {  	[tilespmem:s10], [sflag:$0x2] =	stream.linear.gather [hbm4b:s19+s2], $0x1000, $0x38;
	[tilespmem:$0x7180] =	vst v63  }
.LBB2_9:
0x88: {  	s19 =	simm.s32 $0x0;
	s18 =	simm.s32 $0x7000;
	s20 =	simm.s32 $0x0  }
.LBB2_10:
0x89: {  	v3 =	vld [tilespmem:s18+$0x0];
	_ =	sdelay $0x4  }
0x8a: {  	v4 =	vor.u32 s20, v2;
	vm0 =	vlt.s32 v3, $0x1F  }
0x8b: {  	v5 =	vshll.u32 v4, $0x5;
	vm1 =	vlt.s32 v3, $0x20;
	v6 =	vnsel vm0, $0x1F, v3  }
0x8c: {  	v5 =	vadd.s32 v5, v6  }
0x8d: {  	p0 =	sne.s32 s20, $0x130  }
.Ltmp5:
0x8e: {  	v4 =	vadd.s32 v0, v4;
	(pc) =	sbr.rel @p0 .LBB2_10-.Ltmp5, $4  }
0x8f: {  	vm15 =	vlt.s32 v4, $0x270F  }
0x90: {  	v4 =	vnsel vm15, $0x270F, v4;
	v63 =	vsel vm1, $0x1, v1  }
0x91: {  	v3 =	vadd.s32 v63, v3;
	[tilespmem:v5+s13+$0x0] =	vst.idx.msk vm1, v4  }
0x92: {  	s20 =	sadd.s32 $0x10, s20;
	[tilespmem:s18+$0x0] =	vst v3;
	s18 =	sadd.s32 $0x10, s18  }
0x93: {  	v3 =	vmov s19  }
0x94: {  	v3 =	vshrl.u32 v3, $0x5;
	_ =	sdelay $0x4  }
0x95: {  	v3 =	vld.idx.msk [tilespmem:v3+s12+$0x0], $0xffff  }
0x96: {  	s18 =	simm.s32 $0x10  }
0x97: {  	v4 =	vmov s18  }
0x98: {  	v5 =	vor.u32 s19, v2;
	v4 =	vshrl.u32 v4, $0x5  }
0x99: {  	v5 =	vand.u32 $0x1F, v5  }
0x9a: {  	vm0 =	vlt.s32 v5, v3  }
0x9b: {  	s20 =	simm.s32 $0x4800;
	v3 =	vsel vm0, $0x3F800000, v1  }
0x9c: {  	[tilespmem:s20+$0x0] =	vst v3  }
0x9d: {  	v3 =	vld.idx.msk [tilespmem:v4+s12+$0x0], $0xffff  }
0x9e: {  	s19 =	simm.s32 $0x20  }
0x9f: {  	s21 =	simm.s32 $0x30;
	v4 =	vmov s19  }
.LBB2_12:
0xa0: {  	p0 =	sne.s32 s21, $0x27F0;
	v4 =	vshrl.u32 v4, $0x5;
	v5 =	vor.u32 s18, v2;
	s18 =	smov.u32 s19;
	s19 =	smov.u32 s21  }
0xa1: {  	v5 =	vand.u32 $0x1F, v5  }
0xa2: {  	vm0 =	vlt.s32 v5, v3  }
0xa3: {  	s20 =	sadd.s32 $0x10, s20;
	v3 =	vsel vm0, $0x3F800000, v1  }
.Ltmp6:
0xa4: {  	[tilespmem:s20+$0x0] =	vst v3;
	(pc) =	sbr.rel @p0 .LBB2_12-.Ltmp6, $2  }
0xa5: {  	v3 =	vld.idx.msk [tilespmem:v4+s12+$0x0], $0xffff;
	_ =	sdelay $0x2  }
0xa6: {  	s21 =	sadd.s32 $0x10, s21;
	v4 =	vmov s19  }
0xa7: {  	v4 =	vshrl.u32 v4, $0x5;
	v5 =	vor.u32 s18, v2  }
0xa8: {  	v5 =	vand.u32 $0x1F, v5  }
0xa9: {  	vm0 =	vlt.s32 v5, v3  }
0xaa: {  	s31 =	sadd.s32 $0x10, s20;
	v3 =	vsel vm0, $0x3F800000, v1  }
0xab: {  	[tilespmem:s31+$0x0] =	vst v3  }
0xac: {  	v3 =	vld.idx.msk [tilespmem:v4+s12+$0x0], $0xffff;
	_ =	sdelay $0x2  }
0xad: {  	v63 =	vor.u32 s19, v2  }
0xae: {  	v4 =	vand.u32 $0x1F, v63  }
0xaf: {  	vm15 =	vlt.s32 v4, v3  }
0xb0: {  	s18 =	sadd.s32 $0x10, s31;
	v3 =	vsel vm15, $0x3F800000, v1  }
0xb1: {  	[tilespmem:s18+$0x0] =	vst v3  }
0xb2: {  	[hbm4b:s7+s2] =	stream.linear.scatter [tilespmem:s13], [sflag:$0x3], $0x2800, $0x38;
	[tilespmem:$0x7180] =	vst v63  }
0xb3: {  	s17 =	sadd.s32 $0x1, s17;
	_ =	swait.ge [sflag:s15], $0x2800  }
0xb4: {  	p0 =	sne.s32 s17, s9;
	[sflag:s15] =	ssyncset.done $0x0  }
.Ltmp7:
0xb5: {  	[sflag:s15] =	ssyncadd.s32 $0xFFFFD800;
	(pc) =	sbr.rel @p0 .LBB2_1-.Ltmp7, $4  }
0xb6: {  	[hbm4b:s8+s2] =	stream.linear.scatter [tilespmem:s16], [sflag:$0x3], $0x2800, $0x38;
	[tilespmem:$0x7180] =	vst v63  }
0xb7: {  	_ =	swait.ge [sflag:s15], $0x2800  }
0xb8: {  	[sflag:s15] =	ssyncset.done $0x0  }
0xb9: {  	[sflag:s15] =	ssyncadd.s32 $0xFFFFD800  }
0xba: {  	_ =	sfence.sel $0x180000  }
0xbb: {  	[bflag:$0x0] =	sbarrier.arrive $0xFFFF  }
0xbc: {  	p0 =	sne.s32 s0, $0x0;
	_ =	strace $0x90000047  }
0xbd: {  	s0 =	sadd.s32 @!p0 $0x100000, s1;
	[bflag:$0x2] =	sbarrier.arrive $0xFFFF  }
0xbe: {  	[sflag:s0] =	ssyncadd.tile.s32 @!p0 $0x1;
	_ =	shalt  }
.Lfunc_end2:
_tile_overlayer_lowered:
.L_overlay_start_2:
0xbf: {  	(tag) =	ssettag $0x2  }
0xc0: {  	s0 =	rddreg [dreg:$0x0];
	s2 =	stileid.u32  }
0xc1: {  	s1 =	rddreg [dreg:$0x1];
	p0 =	sne.s32 s2, $0x0  }
0xc2: {  	s3 =	rddreg [dreg:$0x2];
	[bflag:$0x3] =	sbarrier.arrive $0xFFFF;
	s2 =	simm.s32 @!p0 $0x1C03  }
0xc3: {  	[timem:s3], [sflag:s2] =	dma.local @!p0 [hbm:s0], s1  }
0xc4: {  	s0 =	simm.s32 @!p0 $0x3  }
0xc5: {  	_ =	swait.ge @!p0 [sflag:s0], s1  }
0xc6: {  	s1 =	ssub.s32 @!p0 $0x0, s1;
	[sflag:s0] =	ssyncset.done @!p0 $0x0  }
0xc7: {  	[sflag:s0] =	ssyncadd.s32 @!p0 s1  }
0xc8: {  	[bflag:$0x3] =	sbarrier.arrive $0xFFFF  }
0xc9: {  	_ =	shalt  }

// kernel: kernel.9.cloned.1.call-start
scs
__scs_entry_jumppad:
0x0: {  	(pc) =	sbr.rel $0x88, $3  }
0x1: {  	(tag) =	ssettag $0x0;
	lr =	simm.s32 $0x1  }
0x2: {  	[smem:$0x3F9D] =	sst lr;
	_ =	strace $0xD0000000  }
0x3: {  	_ = 	snop  }
0x4: {  	_ = 	snop  }
0x5: {  	_ = 	snop  }
0x6: {  	_ = 	snop  }
0x7: {  	_ = 	snop  }
__scs_overlays_trampoline_lowered:
0x8: {  	[smem:$0x3FAC] =	sst s0  }
0x9: {  	[smem:$0x3FAD] =	sst s1  }
0xa: {  	[smem:$0x3FAE] =	sst s2  }
0xb: {  	[smem:$0x3FAF] =	sst s3  }
0xc: {  	[smem:$0x3FB0] =	sst s4  }
0xd: {  	[smem:$0x3FB1] =	sst s5  }
0xe: {  	[smem:$0x3FB2] =	sst s6  }
0xf: {  	[smem:$0x3FB3] =	sst s7  }
0x10: {  	[smem:$0x3FB4] =	sst s8  }
0x11: {  	[smem:$0x3FB5] =	sst s9;
	s0 =	simm.s32 @!p0 $0x0  }
0x12: {  	s1 =	sld [smem:$0x3F9B];
	s0 =	simm.s32 @p0 $0x1  }
0x13: {  	[smem:$0x3FB6] =	sst s0;
	s0 =	simm.s32 @!p1 $0x0  }
0x14: {  	s2 =	sld [smem:$0x3F9A];
	s0 =	simm.s32 @p1 $0x1  }
0x15: {  	[smem:$0x3FB7] =	sst s0;
	s0 =	simm.s32 @!p2 $0x0  }
0x16: {  	s3 =	sld [smem:$0x3FDB];
	s0 =	simm.s32 @p2 $0x1  }
0x17: {  	s4 =	simm.s32 $0x1BF5;
	[smem:$0x3FB9] =	sst s0  }
0x18: {  	s0 =	sld [smem:$0x3F9C];
	_ =	swait.ge [sflag:s4], $0x0  }
0x19: {  	s7 =	sld [smem:$0x3F9D]  }
0x1a: {  	s8 =	sadd.s32 $0xFFFFE003, lr  }
0x1b: {  	s9 =	sadd.s32 $0xFFFFFEF7, lr;
	s5 =	simm.s32 $0xFFFFFFFF;
	p2 =	slt.u32 s8, $0xFFFFF086  }
0x1c: {  	p1 =	slt.u32 s9, $0xF7A;
	s5 =	simm.s32 @!p2 $0x0  }
0x1d: {  	s5 =	simm.s32 @p1 $0x1;
	p0 =	seq.s32 s7, s2  }
0x1e: {  	s7 =	smul.u32 @!p0 $0xF7A, s2;
	p2 =	seq.s32 @!p0 s5, $0x0  }
0x1f: {  	s9 =	smul.u32 $0xF7A, s1;
	s8 =	simm.s32 @!p0 $0x1BF5;
	p2 =	por !p2, p0  }
0x20: {  	[sflag:s8] =	ssyncset.s32 @!p0 $0xFFFFF086;
	s6 =	sadd.s32 @!p0 s3, s7;
	s7 =	simm.s32 @!p0 $0x108  }
0x21: {  	s3 =	sadd.s32 s3, s9;
	s6 =	sadd.s32 @!p0 $0x88, s6;
	s7 =	simm.s32 @p2 $0x1082  }
0x22: {  	[simem:s7], [sflag:s8] =	dma.local @!p0 [hbm:s6], $0xF7A  }
0x23: {  	s9 =	sor.u32 $0xD0000000, s2;
	s6 =	simm.s32 $0x108;
	_ =	swait.ge @!p0 [sflag:s8], $0x0  }
0x24: {  	s3 =	sadd.s32 $0x88, s3;
	s6 =	simm.s32 @!p1 $0x1082;
	[sflag:s4] =	ssyncset.s32 $0xFFFFF086  }
0x25: {  	[simem:s6], [sflag:s4] =	dma.local [hbm:s3], $0xF7A  }
0x26: {  	[smem:$0x3F9D] =	sst s1;
	(tag) =	ssettag s2;
	_ =	strace s9  }
0x27: {  	s1 =	sld [smem:$0x3FAD]  }
0x28: {  	s2 =	sld [smem:$0x3FAE]  }
0x29: {  	s4 =	sld [smem:$0x3FB0]  }
0x2a: {  	p0 =	seq.s32 s5, $0x0;
	s5 =	sld [smem:$0x3FB1]  }
0x2b: {  	s6 =	sld [smem:$0x3FB2]  }
0x2c: {  	s7 =	sld [smem:$0x3FB3]  }
0x2d: {  	s3 =	simm.s32 $0x108;
	s8 =	sld [smem:$0x3FB4]  }
0x2e: {  	s3 =	simm.s32 @!p0 $0x1082;
	s9 =	sld [smem:$0x3FB5]  }
0x2f: {  	lr =	sadd.s32 s0, s3;
	s0 =	sld [smem:$0x3FAC]  }
0x30: {  	s3 =	sld [smem:$0x3FAF]  }
0x31: {  	[smem:$0x3FB8] =	sst s10  }
0x32: {  	s10 =	sld [smem:$0x3FB6];
	_ =	sdelay $0x3  }
0x33: {  	p0 =	seq.s32 s10, $0x1;
	s10 =	sld [smem:$0x3FB8];
	_ =	sdelay $0x3  }
0x34: {  	[smem:$0x3FB8] =	sst s10  }
0x35: {  	s10 =	sld [smem:$0x3FB7];
	_ =	sdelay $0x3  }
0x36: {  	p1 =	seq.s32 s10, $0x1;
	s10 =	sld [smem:$0x3FB8];
	_ =	sdelay $0x3  }
0x37: {  	[smem:$0x3FB8] =	sst s10  }
0x38: {  	s10 =	sld [smem:$0x3FB9]  }
0x39: {  	_ = 	snop;
	(pc) =	sbr.ind lr, $3  }
0x3a: {  	_ = 	snop  }
0x3b: {  	_ = 	snop  }
0x3c: {  	p2 =	seq.s32 s10, $0x1;
	s10 =	sld [smem:$0x3FB8]  }
0x3d: {  	_ =	shalt  }
0x3e: {  	_ =	shalt  }
0x3f: {  	_ =	shalt  }
0x40: {  	_ =	shalt  }
0x41: {  	_ =	shalt  }
0x42: {  	_ =	shalt  }
0x43: {  	_ =	shalt  }
0x44: {  	_ =	shalt  }
0x45: {  	_ =	shalt  }
0x46: {  	_ =	shalt  }
0x47: {  	_ =	shalt  }
0x48: {  	_ =	shalt  }
0x49: {  	_ =	shalt  }
0x4a: {  	_ =	shalt  }
0x4b: {  	_ =	shalt  }
0x4c: {  	_ =	shalt  }
0x4d: {  	_ =	shalt  }
0x4e: {  	_ =	shalt  }
0x4f: {  	_ =	shalt  }
0x50: {  	_ =	shalt  }
0x51: {  	_ =	shalt  }
0x52: {  	_ =	shalt  }
0x53: {  	_ =	shalt  }
0x54: {  	_ =	shalt  }
0x55: {  	_ =	shalt  }
0x56: {  	_ =	shalt  }
0x57: {  	_ =	shalt  }
0x58: {  	_ =	shalt  }
0x59: {  	_ =	shalt  }
0x5a: {  	_ =	shalt  }
0x5b: {  	_ =	shalt  }
0x5c: {  	_ =	shalt  }
0x5d: {  	_ =	shalt  }
0x5e: {  	_ =	shalt  }
0x5f: {  	_ =	shalt  }
0x60: {  	_ =	shalt  }
0x61: {  	_ =	shalt  }
0x62: {  	_ =	shalt  }
0x63: {  	_ =	shalt  }
0x64: {  	_ =	shalt  }
0x65: {  	_ =	shalt  }
0x66: {  	_ =	shalt  }
0x67: {  	_ =	shalt  }
0x68: {  	_ =	shalt  }
0x69: {  	_ =	shalt  }
0x6a: {  	_ =	shalt  }
0x6b: {  	_ =	shalt  }
0x6c: {  	_ =	shalt  }
0x6d: {  	_ =	shalt  }
0x6e: {  	_ =	shalt  }
0x6f: {  	_ =	shalt  }
0x70: {  	_ =	shalt  }
0x71: {  	_ =	shalt  }
0x72: {  	_ =	shalt  }
0x73: {  	_ =	shalt  }
0x74: {  	_ =	shalt  }
0x75: {  	_ =	shalt  }
0x76: {  	_ =	shalt  }
0x77: {  	_ =	shalt  }
0x78: {  	_ =	shalt  }
0x79: {  	_ =	shalt  }
0x7a: {  	_ =	shalt  }
0x7b: {  	_ =	shalt  }
0x7c: {  	_ =	shalt  }
0x7d: {  	_ =	shalt  }
0x7e: {  	_ =	shalt  }
0x7f: {  	_ =	shalt  }
0x80: {  	_ =	shalt  }
0x81: {  	_ =	shalt  }
0x82: {  	_ =	shalt  }
0x83: {  	_ =	shalt  }
0x84: {  	_ =	shalt  }
0x85: {  	_ =	shalt  }
0x86: {  	_ =	shalt  }
0x87: {  	_ =	shalt  }
.Lfunc_end0:
.L_simem_size_0:
called_computation.1_lowered:
.L_overlay_start_0:
0x88: {  	s2 =	sld [smem:$0x3FD9]  }
0x89: {  	s3 =	sld [smem:$0x3FFE];
	_ =	sdelay $0x1  }
0x8a: {  	s1 =	srdreg.scid  }
0x8b: {  	s0 =	sand.u32 $0x1, s1  }
0x8c: {  	s17 =	sshll.u32 s0, $0xA;
	s2 =	sadd.s32 s3, s2  }
0x8d: {  	s2 =	sadd.s32 s2, s17  }
0x8e: {  	[smem:$0x3FC4] =	sst s2  }
0x8f: {  	_ = 	snop  }
0x90: {  	s2 =	sld [smem:$0x3FD0];
	(tm) =	ssettm $0x1  }
0x91: {  	s18 =	sld [smem:$0x3FFB];
	_ =	sdelay $0x3  }
0x92: {  	_ =	strace s18  }
0x93: {  	s3 =	sld [smem:$0x3FFC];
	_ =	sdelay $0x3  }
0x94: {  	_ =	strace s3  }
0x95: {  	s3 =	sld [smem:$0x3FFD];
	_ =	sdelay $0x3  }
0x96: {  	_ =	strace s3  }
0x97: {  	_ =	strace $0x8FFFFFFF  }
0x98: {  	s19 =	sld [smem:$0x3FDB];
	_ =	sdelay $0x1  }
0x99: {  	s4 =	simm.s32 $_scs_section_size  }
0x9a: {  	s5 =	simm.s32 $_size__tile_overlayer_lowered;
	s6 =	simm.s32 $_tile_overlayer_lowered  }
0x9b: {  	s22 =	simm.s32 $0x1BFF;
	s21 =	sshll.u32 s6, $0x1;
	s3 =	sadd.s32 s4, s19  }
0x9c: {  	s7 =	simm.s32 $0x0;
	s20 =	sshll.u32 s5, $0x1;
	s5 =	sadd.s32 s21, s3  }
0x9d: {  	[timem:s7], [sflag:s22] =	dma.local [hbm:s5], s20  }
0x9e: {  	_ =	swait.ge [sflag:s22], s20  }
0x9f: {  	s4 =	ssub.s32 $0x0, s20;
	[sflag:s22] =	ssyncset.done $0x0  }
0xa0: {  	[sflag:s22] =	ssyncadd.s32 s4;
	_ =	sdelay $0x1  }
0xa1: {  	s23 =	simm.s32 $0x1B8B  }
0xa2: {  	_ =	swait.ge [sflag:s23], $0x1  }
0xa3: {  	[sflag:s23] =	ssyncset.done $0x0  }
0xa4: {  	s25 =	simm.s32 $0x1B8E;
	s24 =	sld [smem:$0x3FFE];
	[sflag:s23] =	ssyncadd.s32 $0xFFFFFFFF  }
0xa5: {  	s26 =	simm.s32 $execute0_lowered;
	[smem:$0x3FD2] =	sst s25  }
0xa6: {  	s5 =	sshll.u32 s26, $0x1;
	_ =	strace $0x80000049;
	[dreg:$0x1] =	wrdreg $0xFFFFFFFF  }
0xa7: {  	s28 =	simm.s32 $_size_execute0_lowered;
	s3 =	sadd.s32 s3, s5;
	[dreg:$0x0] =	wrdreg $0x0  }
0xa8: {  	s5 =	sshll.u32 s28, $0x1;
	[dreg:$0x2] =	wrdreg s3  }
0xa9: {  	[dreg:$0x3] =	wrdreg s5  }
0xaa: {  	[dreg:$0x4] =	wrdreg $0xC0  }
0xab: {  	_ =	task [dreg:s7], $0x5FFFF  }
0xac: {  	[dreg:$0x1] =	wrdreg $0xFFFFFFFF  }
0xad: {  	[dreg:$0x0] =	wrdreg $0x60  }
0xae: {  	[dreg:$0x2] =	wrdreg s2  }
0xaf: {  	[dreg:$0x3] =	wrdreg s24  }
0xb0: {  	[dreg:$0x4] =	wrdreg $0x9  }
0xb1: {  	_ =	task.clear_ibuf [dreg:s7], $0x5FFFF;
	_ =	strace $0x90000049  }
0xb2: {  	s29 =	simm.s32 $0x9;
	_ =	strace $0x8000004B  }
0xb3: {  	_ =	swait.ge [sflag:s29], $0x1  }
0xb4: {  	[sflag:s29] =	ssyncadd.s32 $0xFFFFFFFF  }
0xb5: {  	_ =	strace $0x9000004B  }
0xb6: {  	_ =	sfence  }
0xb7: {  	s30 =	sld [smem:$0x0];
	_ =	sdelay $0x2  }
0xb8: {  	s31 =	sshll.u32 s1, $0xD;
	s1 =	sshrl.u32 s1, $0x2  }
0xb9: {  	s3 =	sand.u32 $0x4000, s31;
	s1 =	sadd.s32 s1, s30  }
0xba: {  	s0 =	sor.u32 s3, s0;
	s1 =	sshll.u32 s1, $0x11  }
0xbb: {  	s0 =	sor.u32 s1, s0  }
0xbc: {  	s0 =	sadd.s32 $0x8F2B, s0  }
0xbd: {  	[sflag:s0] =	ssyncadd.remote.s32 $0x1  }
0xbe: {  	_ =	sfence.sel $0xFFFF  }
0xbf: {  	[dreg:$0x0] =	wrdreg $0xFFFFFFFF;
	(pc) =	sbr.abs _section_cstart, $3  }
0xc0: {  	[dreg:$0x1] =	wrdreg $0xFFFFFFFF  }
0xc1: {  	_ =	task.clear_ibuf [dreg:s7], $0x2FFFF;
	_ =	strace $0x9FFFFFFF  }
0xc2: {  	(tm) =	ssettm $0x7FFFFFFF  }
0xc3: {  	_ =	shalt  }
tec
execute0_lowered:
.L_overlay_start_1:
0x0: {  	(tag) =	ssettag $0x1  }
0x1: {  	s1 =	srdreg.scid;
	s0 =	stileid.u32  }
0x2: {  	s2 =	rddreg [dreg:$0x0];
	s5 =	sand.u32 $0x1, s1;
	s4 =	smul.u32 $0x5000, s0  }
0x3: {  	s6 =	rddreg [dreg:$0x1];
	s7 =	smul.u32 $0x2800, s5  }
0x4: {  	s3 =	simm.s32 $0x0;
	s1 =	rddreg [dreg:$0x2]  }
0x5: {  	[smem:$0x7FF] =	sst s3;
	s29 =	smul.u32 $0x50000, s0;
	s4 =	sadd.s32 s7, s4  }
0x6: {  	s9 =	ssub.s32 $0x2, s5;
	s5 =	smul.u32 $0x28000, s5;
	s8 =	sshrl.u32 s4, $0x3  }
0x7: {  	s30 =	sshrl.u32 s9, $0x1;
	s8 =	sadd.s32 s8, s6;
	s6 =	sadd.s32 s29, s6  }
0x8: {  	_ =	strace $0x8000004A;
	s7 =	ssub.s32 s9, s30;
	s31 =	sadd.s32 s5, s6  }
0x9: {  	s5 =	smax.u32 s7, $0x1;
	s6 =	sadd.s32 $0x15200, s8;
	s7 =	sadd.s32 $0x1F200, s31  }
.LBB2_1:
0xa: {  	p0 =	sgt.u32 s4, $0x4E1FF  }
0xb: {  	s8 =	sadd.s32 @!p0 $0x0, s6;
	s10 =	simm.s32 @!p0 $0x0;
	s9 =	simm.s32 @!p0 $0x3  }
0xc: {  	[tilespmem:s10], [sflag:$0x3] =	stream.linear.gather @!p0 [hbm4b:s8+s10], $0x140, $0x38;
	[tilespmem:$0xA180] =	vst v63  }
0xd: {  	_ =	swait.ge @!p0 [sflag:s9], $0x140;
	p0 =	por p0, p0  }
0xe: {  	[sflag:s9] =	ssyncset.done @!p0 $0x0;
	s8 =	simm.s32 @!p0 $0x1  }
0xf: {  	s11 =	simm.s32 @!p0 $0x180;
	[sflag:s9] =	ssyncadd.s32 @!p0 $0xFFFFFEC0;
	s9 =	simm.s32 @!p0 $0x140  }
0x10: {  	[tilespmem:s11], [sflag:$0x1] =	stream.indirect.gather @!p0 [hbm4b:s2+s9], $0x80, s10, s9, $0xb8;
	[tilespmem:$0xA180] =	vst v63  }
0x11: {  	_ =	swait.ge @!p0 [sflag:s8], $0xA000  }
0x12: {  	[sflag:s8] =	ssyncset.done @!p0 $0x0  }
0x13: {  	s12 =	simm.s32 @!p0 $0x2;
	[sflag:s8] =	ssyncadd.s32 @!p0 $0xFFFF6000  }
0x14: {  	[hbm4b:s7+s10] =	stream.linear.scatter @!p0 [tilespmem:s11], [sflag:$0x2], $0xA000, $0x38;
	[tilespmem:$0xA180] =	vst v63  }
0x15: {  	s9 =	simm.s32 $0x28;
	s8 =	sadd.s32 $0x1400, s7;
	s11 =	sadd.s32 $0x140, s4  }
0x16: {  	s10 =	simm.s32 $0x50;
	p1 =	sgt.u32 s11, $0x4E1FF;
	_ =	swait.ge @!p0 [sflag:s12], $0xA000  }
.LBB2_2:
0x17: {  	s13 =	sadd.s32 @!p1 s9, s6  }
0x18: {  	s14 =	simm.s32 @!p1 $0x0;
	[sflag:s12] =	ssyncset.done @!p0 $0x0;
	s9 =	smov.u32 s10  }
0x19: {  	s10 =	sadd.s32 $0x28, s10;
	s15 =	simm.s32 @!p1 $0x3;
	[sflag:s12] =	ssyncadd.s32 @!p0 $0xFFFF6000  }
0x1a: {  	[tilespmem:s14], [sflag:$0x3] =	stream.linear.gather @!p1 [hbm4b:s13+s14], $0x140, $0x38;
	[tilespmem:$0xA180] =	vst v63  }
0x1b: {  	p2 =	sne.s32 s10, $0x500;
	p0 =	por p1, p1;
	_ =	swait.ge @!p1 [sflag:s15], $0x140  }
0x1c: {  	s12 =	simm.s32 @!p0 $0x1;
	[sflag:s15] =	ssyncset.done @!p0 $0x0  }
0x1d: {  	s13 =	simm.s32 @!p0 $0x140;
	[sflag:s15] =	ssyncadd.s32 @!p0 $0xFFFFFEC0;
	s15 =	simm.s32 @!p0 $0x180  }
0x1e: {  	[tilespmem:s15], [sflag:$0x1] =	stream.indirect.gather @!p0 [hbm4b:s2+s13], $0x80, s14, s13, $0xb8;
	[tilespmem:$0xA180] =	vst v63  }
.Ltmp0:
0x1f: {  	_ =	swait.ge @!p0 [sflag:s12], $0xA000;
	(pc) =	sbr.rel @p2 .LBB2_2-.Ltmp0, $4  }
0x20: {  	[sflag:s12] =	ssyncset.done @!p0 $0x0  }
0x21: {  	s11 =	sadd.s32 $0x140, s11;
	[sflag:s12] =	ssyncadd.s32 @!p0 $0xFFFF6000;
	s12 =	simm.s32 @!p0 $0x2  }
0x22: {  	[hbm4b:s8+s14] =	stream.linear.scatter @!p0 [tilespmem:s15], [sflag:$0x2], $0xA000, $0x38;
	[tilespmem:$0xA180] =	vst v63  }
0x23: {  	p1 =	sgt.u32 s11, $0x4E1FF;
	s8 =	sadd.s32 $0x1400, s8;
	_ =	swait.ge @!p0 [sflag:s12], $0xA000  }
0x24: {  	s9 =	sadd.s32 @!p1 s9, s6;
	[sflag:s12] =	ssyncset.done @!p0 $0x0  }
0x25: {  	s10 =	simm.s32 @!p1 $0x0;
	s11 =	simm.s32 @!p1 $0x3;
	[sflag:s12] =	ssyncadd.s32 @!p0 $0xFFFF6000  }
0x26: {  	[tilespmem:s10], [sflag:$0x3] =	stream.linear.gather @!p1 [hbm4b:s9+s10], $0x140, $0x38;
	[tilespmem:$0xA180] =	vst v63  }
0x27: {  	p0 =	por p1, p1;
	_ =	swait.ge @!p1 [sflag:s11], $0x140  }
0x28: {  	s9 =	simm.s32 @!p0 $0x1;
	[sflag:s11] =	ssyncset.done @!p0 $0x0  }
0x29: {  	s12 =	simm.s32 @!p0 $0x180;
	[sflag:s11] =	ssyncadd.s32 @!p0 $0xFFFFFEC0;
	s11 =	simm.s32 @!p0 $0x140  }
0x2a: {  	[tilespmem:s12], [sflag:$0x1] =	stream.indirect.gather @!p0 [hbm4b:s2+s11], $0x80, s10, s11, $0xb8;
	[tilespmem:$0xA180] =	vst v63  }
0x2b: {  	s3 =	sadd.s32 $0x1, s3;
	_ =	swait.ge @!p0 [sflag:s9], $0xA000  }
0x2c: {  	p1 =	sne.s32 s3, s5;
	[sflag:s9] =	ssyncset.done @!p0 $0x0  }
.Ltmp1:
0x2d: {  	[sflag:s9] =	ssyncadd.s32 @!p0 $0xFFFF6000;
	s9 =	simm.s32 @!p0 $0x2;
	(pc) =	sbr.rel @p1 .LBB2_1-.Ltmp1, $4  }
0x2e: {  	[hbm4b:s8+s10] =	stream.linear.scatter @!p0 [tilespmem:s12], [sflag:$0x2], $0xA000, $0x38;
	[tilespmem:$0xA180] =	vst v63  }
0x2f: {  	_ =	swait.ge @!p0 [sflag:s9], $0xA000  }
0x30: {  	[sflag:s9] =	ssyncset.done @!p0 $0x0  }
0x31: {  	[sflag:s9] =	ssyncadd.s32 @!p0 $0xFFFF6000  }
0x32: {  	_ =	sfence.sel $0x180000  }
0x33: {  	[bflag:$0x0] =	sbarrier.arrive $0xFFFF  }
0x34: {  	p0 =	sne.s32 s0, $0x0;
	_ =	strace $0x9000004A  }
0x35: {  	s0 =	sadd.s32 @!p0 $0x100000, s1;
	[bflag:$0x2] =	sbarrier.arrive $0xFFFF  }
0x36: {  	[sflag:s0] =	ssyncadd.tile.s32 @!p0 $0x1;
	_ =	shalt  }
.Lfunc_end2:
_tile_overlayer_lowered:
.L_overlay_start_2:
0x37: {  	(tag) =	ssettag $0x2  }
0x38: {  	s0 =	rddreg [dreg:$0x0];
	s2 =	stileid.u32  }
0x39: {  	s1 =	rddreg [dreg:$0x1];
	p0 =	sne.s32 s2, $0x0  }
0x3a: {  	s3 =	rddreg [dreg:$0x2];
	[bflag:$0x3] =	sbarrier.arrive $0xFFFF;
	s2 =	simm.s32 @!p0 $0x1C02  }
0x3b: {  	[timem:s3], [sflag:s2] =	dma.local @!p0 [hbm:s0], s1  }
0x3c: {  	s0 =	simm.s32 @!p0 $0x2  }
0x3d: {  	_ =	swait.ge @!p0 [sflag:s0], s1  }
0x3e: {  	s1 =	ssub.s32 @!p0 $0x0, s1;
	[sflag:s0] =	ssyncset.done @!p0 $0x0  }
0x3f: {  	[sflag:s0] =	ssyncadd.s32 @!p0 s1  }
0x40: {  	[bflag:$0x3] =	sbarrier.arrive $0xFFFF  }
0x41: {  	_ =	shalt  }

</sc_bundles>
